<compile_context>
chip_gen: v7x
topology: tpu7x:2x2x1
jax: 0.10.2.dev20260603
libtpu: 0.0.44.dev20260713+nightly
codegen_flags: <defaults>
</compile_context>

<pallas_src>
import jax
import jax.numpy as jnp
from jax import lax
from jax.experimental import pallas as pl
from jax.experimental.pallas import tpu as pltpu
from jax.experimental.pallas import tpu_sc as plsc

N_NODES = 10000
D_FEAT = 128
N_EDGES = 320000
NC = 2
NS = 16
NW = NC * NS
EDGES_PER_W = N_EDGES // NW
CHUNK = 50
NCHUNK = EDGES_PER_W // CHUNK


def _sc_agg_body(x_hbm, edges_hbm, parts_hbm, deg_hbm,
                 acc, src_idx, dst_idx, hist, rows0, rows1, sem0, sem1):
    c = lax.axis_index("c")
    s = lax.axis_index("s")
    wid = c * NS + s

    pltpu.async_copy(edges_hbm.at[0, wid], src_idx, sem0)
    pltpu.async_copy(edges_hbm.at[1, wid], dst_idx, sem1)

    zv = jnp.zeros((16,), jnp.float32)

    def _zrow(i, _):
        def _zcol(j, _):
            rows0[i, pl.ds(j * 16, 16)] = zv
            return 0
        return lax.fori_loop(0, D_FEAT // 16, _zcol, 0)

    lax.fori_loop(0, CHUNK, _zrow, 0)

    def _zhist(i, _):
        hist[pl.ds(i * 16, 16)] = zv
        return 0

    lax.fori_loop(0, N_NODES // 16, _zhist, 0)

    start = s * 624
    for i in range(12):
        pltpu.sync_copy(rows0, acc.at[pl.ds(start + i * 50, 50)])
    pltpu.sync_copy(rows0.at[pl.ds(0, 24)], acc.at[pl.ds(start + 600, 24)])

    @pl.when(s == NS - 1)
    def _():
        pltpu.sync_copy(rows0.at[pl.ds(0, 16)],
                        acc.at[pl.ds(start + 624, 16)])

    pltpu.make_async_copy(edges_hbm.at[0, wid], src_idx, sem0).wait()
    pltpu.make_async_copy(edges_hbm.at[1, wid], dst_idx, sem1).wait()

    plsc.subcore_barrier()

    ones = zv + 1.0
    tail_mask = lax.broadcasted_iota(jnp.int32, (16,), 0) >= 14

    def _hist_chunk(k):
        for col in (0, 16, 32):
            plsc.addupdate_scatter(hist, [dst_idx[k, pl.ds(col, 16)]], ones)
        plsc.addupdate_scatter(hist, [dst_idx[k, pl.ds(34, 16)]], ones,
                               mask=tail_mask)

    pltpu.async_copy(x_hbm.at[src_idx.at[0]], rows0, sem0)

    def _pair(j, _):
        e = 2 * j
        pltpu.async_copy(x_hbm.at[src_idx.at[e + 1]], rows1, sem1)
        _hist_chunk(e)
        pltpu.make_async_copy(x_hbm.at[src_idx.at[e]], rows0, sem0).wait()
        pltpu.sync_copy(rows0, acc.at[dst_idx.at[e]], add=True)

        @pl.when(j < NCHUNK // 2 - 1)
        def _():
            pltpu.async_copy(x_hbm.at[src_idx.at[e + 2]], rows0, sem0)

        _hist_chunk(e + 1)
        pltpu.make_async_copy(x_hbm.at[src_idx.at[e + 1]], rows1,
                              sem1).wait()
        pltpu.sync_copy(rows1, acc.at[dst_idx.at[e + 1]], add=True)
        return 0

    lax.fori_loop(0, NCHUNK // 2, _pair, 0)

    plsc.subcore_barrier()

    pltpu.sync_copy(acc.at[pl.ds(start, 624)],
                    parts_hbm.at[c, pl.ds(start, 624)])

    @pl.when(s == NS - 1)
    def _():
        pltpu.sync_copy(acc.at[pl.ds(9984, 16)],
                        parts_hbm.at[c, pl.ds(9984, 16)])

    pltpu.sync_copy(hist, deg_hbm.at[c, s])


@jax.jit
def _sc_aggregate(x, edges):
    return pl.kernel(
        _sc_agg_body,
        out_type=(
            jax.ShapeDtypeStruct((NC, N_NODES, D_FEAT), jnp.float32),
            jax.ShapeDtypeStruct((NC, NS, N_NODES), jnp.float32),
        ),
        mesh=plsc.VectorSubcoreMesh(core_axis_name="c", subcore_axis_name="s"),
        scratch_types=[
            pltpu.VMEM_SHARED((N_NODES, D_FEAT), jnp.float32),
            pltpu.VMEM((NCHUNK, CHUNK), jnp.int32),
            pltpu.VMEM((NCHUNK, CHUNK), jnp.int32),
            pltpu.VMEM((N_NODES,), jnp.float32),
            pltpu.VMEM((CHUNK, D_FEAT), jnp.float32),
            pltpu.VMEM((CHUNK, D_FEAT), jnp.float32),
            pltpu.SemaphoreType.DMA,
            pltpu.SemaphoreType.DMA,
        ],
        compiler_params=pltpu.CompilerParams(use_tc_tiling_on_sc=False,
                                             needs_layout_passes=False),
    )(x, edges)


def _tc_cls_body(x_ref, p_ref, d_ref, ws_ref, wn_ref, wc_ref, o_ref):
    ssum = p_ref[0] + p_ref[1]
    deg = jnp.sum(d_ref[...], axis=(0, 1))
    inv_deg = 1.0 / jnp.maximum(deg, 1.0)
    mean = ssum * inv_deg[:, None]
    h = jnp.dot(x_ref[...], ws_ref[...], preferred_element_type=jnp.float32)
    h += jnp.dot(mean, wn_ref[...], preferred_element_type=jnp.float32)
    h = jnp.maximum(h, 0.0)
    o_ref[...] = jnp.dot(h, wc_ref[...], preferred_element_type=jnp.float32)


@jax.jit
def _tc_classify(x, parts, deg, ws, wn, wc):
    return pl.pallas_call(
        _tc_cls_body,
        out_shape=jax.ShapeDtypeStruct((N_NODES, 64), jnp.float32),
    )(x, parts, deg, ws, wn, wc)


def kernel(x, edge_index, nodes, W_enc, W_cls):
    edges = edge_index.reshape(2, NW, NCHUNK, CHUNK)
    parts, deg = _sc_aggregate(x, edges)
    ws = W_enc[:, :D_FEAT].T
    wn = W_enc[:, D_FEAT:].T
    wc = W_cls.T
    return _tc_classify(x, parts, deg, ws, wn, wc)

# --- scband reference (transcript-rebuilt; emitter-appended) ---
"""Pipeline reference for scband-graphsage-sup-55422257988369 (READ-ONLY COPY).

The authoritative reference and input builder live on the scoring server;
editing this copy changes nothing except your own understanding.
"""

import jax, jax.numpy as jnp
import numpy as np

N_NODES = 10000
D_FEAT = 128
EMBED_DIM = 128
NUM_CLASSES = 64
N_EDGES = 320000


def setup_inputs(seed: int = 0) -> dict:
    key = jax.random.key(seed)
    k1, k2, k3, k4 = jax.random.split(key, 4)
    x = jax.random.normal(k1, (N_NODES, D_FEAT), dtype=jnp.float32)
    edge_index = jax.random.randint(k2, (2, N_EDGES), 0, N_NODES, dtype=jnp.int32)
    nodes = jnp.arange(N_NODES, dtype=jnp.int32)
    # Encoder weight (Hamilton GraphSAGE: concat(self, neigh_mean) -> embed_dim), xavier-like scale
    W_enc = jax.random.normal(k3, (EMBED_DIM, 2 * D_FEAT), dtype=jnp.float32) * (2.0 / (EMBED_DIM + 2 * D_FEAT)) ** 0.5
    # Supervised classifier weight: [num_classes, embed_dim]
    W_cls = jax.random.normal(k4, (NUM_CLASSES, EMBED_DIM), dtype=jnp.float32) * (2.0 / (NUM_CLASSES + EMBED_DIM)) ** 0.5
    return {"x": x, "edge_index": edge_index, "nodes": nodes, "W_enc": W_enc, "W_cls": W_cls}


def reference(x, edge_index, nodes, W_enc, W_cls):
    # enc(nodes): one-hop GraphSAGE mean-aggregator encoder
    src = edge_index[0]
    dst = edge_index[1]
    # gather source features and scatter-add to destination nodes (SparseCore-friendly)
    neigh_sum = jax.ops.segment_sum(x[src], dst, num_segments=x.shape[0])
    deg = jax.ops.segment_sum(jnp.ones((edge_index.shape[1],), dtype=x.dtype), dst, num_segments=x.shape[0])
    neigh_mean = neigh_sum / jnp.maximum(deg, 1.0)[:, None]
    combined = jnp.concatenate([x[nodes], neigh_mean[nodes]], axis=1)  # [n, 2*d_feat]
    embeds = jax.nn.relu(W_enc @ combined.T)  # [embed_dim, n]
    # graphsage_sup.forward: scores = self.weight.mm(embeds); return scores.t()
    scores = W_cls @ embeds  # [num_classes, n]
    return scores.T  # [n, num_classes]

if __name__ == "__main__":
    import jax
    _d = setup_inputs()
    print(jax.jit(kernel)(*tuple(_d.values())))

</pallas_src>

<mosaic_0001>
#map = affine_map<(d0, d1) -> (0, 0)>
#map1 = affine_map<(d0, d1) -> (0, 0, 0, 0)>
#map2 = affine_map<(d0, d1) -> (0, 0, 0)>
module attributes {stable_mosaic.version = 14 : i64} {
  func.func @_sc_agg_body(%arg0: i32, %arg1: i32, %arg2: memref<10000x128xf32, #tpu.memory_space<hbm>>, %arg3: memref<2x32x200x50xi32, #tpu.memory_space<hbm>>, %arg4: memref<2x10000x128xf32, #tpu.memory_space<hbm>>, %arg5: memref<2x16x10000xf32, #tpu.memory_space<hbm>>, %arg6: memref<10000x128xf32, #tpu.memory_space<vmem_shared>>, %arg7: memref<200x50xi32, #tpu.memory_space<vmem>>, %arg8: memref<200x50xi32, #tpu.memory_space<vmem>>, %arg9: memref<10000xf32, #tpu.memory_space<vmem>>, %arg10: memref<50x128xf32, #tpu.memory_space<vmem>>, %arg11: memref<50x128xf32, #tpu.memory_space<vmem>>, %arg12: memref<!tpu.dma_semaphore, #tpu.memory_space<semaphore_mem>>, %arg13: memref<!tpu.dma_semaphore, #tpu.memory_space<semaphore_mem>>) attributes {dimension_semantics = [#tpu.dimension_semantics<core_parallel>, #tpu.dimension_semantics<subcore_parallel>], iteration_bounds = array<i64: 2, 16>, scalar_prefetch = 0 : i64, scratch_operands = 8 : i64, tpu.core_type = #tpu.core_type<sc_vector_subcore>, window_params = [{transform_indices = #map}, {transform_indices = #map1}, {transform_indices = #map2}, {transform_indices = #map2}]} {
    %mul3A = arith.constant 16 : i32
    %mul3A_0 = arith.muli %arg0, %mul3A : i32
    %add3A = arith.addi %mul3A_0, %arg1 : i32
    %dma_start3A = arith.constant 0 : i32
    %dma_start3A_1 = arith.constant 0 : i32
    %dma_start3A_2 = arith.constant 0 : i32
    %dma_start3A_3 = tpu.memref_slice %arg3[%dma_start3A, %add3A, %dma_start3A_1, %dma_start3A_2] : memref<2x32x200x50xi32, #tpu.memory_space<hbm>> -> memref<1x1x200x50xi32, #tpu.memory_space<hbm>>
    %dma_start3A_4 = tpu.memref_squeeze %dma_start3A_3 : memref<1x1x200x50xi32, #tpu.memory_space<hbm>> -> memref<200x50xi32, #tpu.memory_space<hbm>>
    %dma_start3A_5 = arith.constant 0 : i32
    %dma_start3A_6 = arith.constant 0 : i32
    %dma_start3A_7 = tpu.memref_slice %arg3[%dma_start3A, %add3A, %dma_start3A_5, %dma_start3A_6] : memref<2x32x200x50xi32, #tpu.memory_space<hbm>> -> memref<1x1x200x50xi32, #tpu.memory_space<hbm>>
    %dma_start3A_8 = tpu.memref_squeeze %dma_start3A_7 : memref<1x1x200x50xi32, #tpu.memory_space<hbm>> -> memref<200x50xi32, #tpu.memory_space<hbm>>
    tpu.enqueue_dma source(%dma_start3A_8 : memref<200x50xi32, #tpu.memory_space<hbm>>) target(%arg7 : memref<200x50xi32, #tpu.memory_space<vmem>>) target_semaphore(%arg12 : memref<!tpu.dma_semaphore, #tpu.memory_space<semaphore_mem>>)
    %dma_start3A_9 = arith.constant 1 : i32
    %dma_start3A_10 = arith.constant 0 : i32
    %dma_start3A_11 = arith.constant 0 : i32
    %dma_start3A_12 = tpu.memref_slice %arg3[%dma_start3A_9, %add3A, %dma_start3A_10, %dma_start3A_11] : memref<2x32x200x50xi32, #tpu.memory_space<hbm>> -> memref<1x1x200x50xi32, #tpu.memory_space<hbm>>
    %dma_start3A_13 = tpu.memref_squeeze %dma_start3A_12 : memref<1x1x200x50xi32, #tpu.memory_space<hbm>> -> memref<200x50xi32, #tpu.memory_space<hbm>>
    %dma_start3A_14 = arith.constant 0 : i32
    %dma_start3A_15 = arith.constant 0 : i32
    %dma_start3A_16 = tpu.memref_slice %arg3[%dma_start3A_9, %add3A, %dma_start3A_14, %dma_start3A_15] : memref<2x32x200x50xi32, #tpu.memory_space<hbm>> -> memref<1x1x200x50xi32, #tpu.memory_space<hbm>>
    %dma_start3A_17 = tpu.memref_squeeze %dma_start3A_16 : memref<1x1x200x50xi32, #tpu.memory_space<hbm>> -> memref<200x50xi32, #tpu.memory_space<hbm>>
    tpu.enqueue_dma source(%dma_start3A_17 : memref<200x50xi32, #tpu.memory_space<hbm>>) target(%arg8 : memref<200x50xi32, #tpu.memory_space<vmem>>) target_semaphore(%arg13 : memref<!tpu.dma_semaphore, #tpu.memory_space<semaphore_mem>>)
    %broadcast_in_dim3A = arith.constant 0.000000e+00 : f32
    %broadcast_in_dim3A_18 = vector.broadcast %broadcast_in_dim3A : f32 to vector<16xf32>
    %scan3A = arith.constant 0 : i32
    %scan3A_19 = arith.constant 0 : i32
    %scan3A_20 = arith.constant 50 : i32
    %scan3A_21 = arith.addi %scan3A_19, %scan3A_20 : i32
    %scan3A_22 = arith.constant 1 : i32
    %scan3A_23 = scf.for %scan3A_104 = %scan3A_19 to %scan3A_21 step %scan3A_22 iter_args(%scan3A_105 = %scan3A) -> (i32)  : i32 {
      %scan3A_106 = arith.constant 0 : i32
      %scan3A_107 = arith.constant 0 : i32
      %scan3A_108 = arith.constant 8 : i32
      %scan3A_109 = arith.addi %scan3A_107, %scan3A_108 : i32
      %scan3A_110 = arith.constant 1 : i32
      %scan3A_111 = scf.for %scan3A_113 = %scan3A_107 to %scan3A_109 step %scan3A_110 iter_args(%scan3A_114 = %scan3A_106) -> (i32)  : i32 {
        %mul3A_115 = arith.constant 16 : i32
        %mul3A_116 = arith.muli %scan3A_113, %mul3A_115 : i32
        %swap3A = arith.index_cast %scan3A_104 : i32 to index
        %swap3A_117 = arith.index_cast %mul3A_116 : i32 to index
        %swap3A_118 = tpu.vector_load %arg10[%swap3A, %swap3A_117] {strides = array<i32>} : memref<50x128xf32, #tpu.memory_space<vmem>>, vector<16xf32>,
        tpu.vector_store %arg10[%swap3A, %swap3A_117], %broadcast_in_dim3A_18 {strides = array<i32>} : memref<50x128xf32, #tpu.memory_space<vmem>>, vector<16xf32>,
        %scan3A_119 = arith.constant 0 : i32
        scf.yield %scan3A_119 : i32
      }
      %scan3A_112 = arith.constant 8 : i32
      scf.yield %scan3A_111 : i32
    }
    %scan3A_24 = arith.constant 50 : i32
    %scan3A_25 = arith.constant 0 : i32
    %scan3A_26 = arith.constant 0 : i32
    %scan3A_27 = arith.constant 625 : i32
    %scan3A_28 = arith.addi %scan3A_26, %scan3A_27 : i32
    %scan3A_29 = arith.constant 1 : i32
    %scan3A_30 = scf.for %scan3A_104 = %scan3A_26 to %scan3A_28 step %scan3A_29 iter_args(%scan3A_105 = %scan3A_25) -> (i32)  : i32 {
      %mul3A_106 = arith.constant 16 : i32
      %mul3A_107 = arith.muli %scan3A_104, %mul3A_106 : i32
      %swap3A = arith.index_cast %mul3A_107 : i32 to index
      %swap3A_108 = tpu.vector_load %arg9[%swap3A] {strides = array<i32>} : memref<10000xf32, #tpu.memory_space<vmem>>, vector<16xf32>,
      tpu.vector_store %arg9[%swap3A], %broadcast_in_dim3A_18 {strides = array<i32>} : memref<10000xf32, #tpu.memory_space<vmem>>, vector<16xf32>,
      %scan3A_109 = arith.constant 0 : i32
      scf.yield %scan3A_109 : i32
    }
    %scan3A_31 = arith.constant 625 : i32
    %mul3A_32 = arith.constant 624 : i32
    %mul3A_33 = arith.muli %arg1, %mul3A_32 : i32
    %add3A_34 = arith.constant 0 : i32
    %add3A_35 = arith.addi %mul3A_33, %add3A_34 : i32
    "tpu.region"() ({
      %run_scoped3A = tpu.sem_alloc : memref<!tpu.dma_semaphore, #tpu.memory_space<semaphore_mem>>
      %dma_start3A_104 = arith.constant 0 : i32
      %dma_start3A_105 = tpu.memref_slice %arg6[%add3A_35, %dma_start3A_104] : memref<10000x128xf32, #tpu.memory_space<vmem_shared>> -> memref<50x128xf32, #tpu.memory_space<vmem_shared>>
      %dma_start3A_106 = arith.constant 0 : i32
      %dma_start3A_107 = tpu.memref_slice %arg6[%add3A_35, %dma_start3A_106] : memref<10000x128xf32, #tpu.memory_space<vmem_shared>> -> memref<50x128xf32, #tpu.memory_space<vmem_shared>>
      tpu.enqueue_dma source(%arg10 : memref<50x128xf32, #tpu.memory_space<vmem>>) target(%dma_start3A_107 : memref<50x128xf32, #tpu.memory_space<vmem_shared>>) target_semaphore(%run_scoped3A : memref<!tpu.dma_semaphore, #tpu.memory_space<semaphore_mem>>)
      %dma_wait3A_108 = arith.constant 0 : i32
      %dma_wait3A_109 = tpu.memref_slice %arg6[%add3A_35, %dma_wait3A_108] : memref<10000x128xf32, #tpu.memory_space<vmem_shared>> -> memref<50x128xf32, #tpu.memory_space<vmem_shared>>
      %dma_wait3A_110 = arith.constant 0 : i32
      %dma_wait3A_111 = tpu.memref_slice %arg6[%add3A_35, %dma_wait3A_110] : memref<10000x128xf32, #tpu.memory_space<vmem_shared>> -> memref<50x128xf32, #tpu.memory_space<vmem_shared>>
      tpu.wait_dma2 semaphore(%run_scoped3A : memref<!tpu.dma_semaphore, #tpu.memory_space<semaphore_mem>>) src(%arg10 : memref<50x128xf32, #tpu.memory_space<vmem>>) dst(%dma_wait3A_111 : memref<50x128xf32, #tpu.memory_space<vmem_shared>>)
      tpu.yield
    }) : () -> ()
    %add3A_36 = arith.constant 50 : i32
    %add3A_37 = arith.addi %mul3A_33, %add3A_36 : i32
    "tpu.region"() ({
      %run_scoped3A = tpu.sem_alloc : memref<!tpu.dma_semaphore, #tpu.memory_space<semaphore_mem>>
      %dma_start3A_104 = arith.constant 0 : i32
      %dma_start3A_105 = tpu.memref_slice %arg6[%add3A_37, %dma_start3A_104] : memref<10000x128xf32, #tpu.memory_space<vmem_shared>> -> memref<50x128xf32, #tpu.memory_space<vmem_shared>>
      %dma_start3A_106 = arith.constant 0 : i32
      %dma_start3A_107 = tpu.memref_slice %arg6[%add3A_37, %dma_start3A_106] : memref<10000x128xf32, #tpu.memory_space<vmem_shared>> -> memref<50x128xf32, #tpu.memory_space<vmem_shared>>
      tpu.enqueue_dma source(%arg10 : memref<50x128xf32, #tpu.memory_space<vmem>>) target(%dma_start3A_107 : memref<50x128xf32, #tpu.memory_space<vmem_shared>>) target_semaphore(%run_scoped3A : memref<!tpu.dma_semaphore, #tpu.memory_space<semaphore_mem>>)
      %dma_wait3A_108 = arith.constant 0 : i32
      %dma_wait3A_109 = tpu.memref_slice %arg6[%add3A_37, %dma_wait3A_108] : memref<10000x128xf32, #tpu.memory_space<vmem_shared>> -> memref<50x128xf32, #tpu.memory_space<vmem_shared>>
      %dma_wait3A_110 = arith.constant 0 : i32
      %dma_wait3A_111 = tpu.memref_slice %arg6[%add3A_37, %dma_wait3A_110] : memref<10000x128xf32, #tpu.memory_space<vmem_shared>> -> memref<50x128xf32, #tpu.memory_space<vmem_shared>>
      tpu.wait_dma2 semaphore(%run_scoped3A : memref<!tpu.dma_semaphore, #tpu.memory_space<semaphore_mem>>) src(%arg10 : memref<50x128xf32, #tpu.memory_space<vmem>>) dst(%dma_wait3A_111 : memref<50x128xf32, #tpu.memory_space<vmem_shared>>)
      tpu.yield
    }) : () -> ()
    %add3A_38 = arith.constant 100 : i32
    %add3A_39 = arith.addi %mul3A_33, %add3A_38 : i32
    "tpu.region"() ({
      %run_scoped3A = tpu.sem_alloc : memref<!tpu.dma_semaphore, #tpu.memory_space<semaphore_mem>>
      %dma_start3A_104 = arith.constant 0 : i32
      %dma_start3A_105 = tpu.memref_slice %arg6[%add3A_39, %dma_start3A_104] : memref<10000x128xf32, #tpu.memory_space<vmem_shared>> -> memref<50x128xf32, #tpu.memory_space<vmem_shared>>
      %dma_start3A_106 = arith.constant 0 : i32
      %dma_start3A_107 = tpu.memref_slice %arg6[%add3A_39, %dma_start3A_106] : memref<10000x128xf32, #tpu.memory_space<vmem_shared>> -> memref<50x128xf32, #tpu.memory_space<vmem_shared>>
      tpu.enqueue_dma source(%arg10 : memref<50x128xf32, #tpu.memory_space<vmem>>) target(%dma_start3A_107 : memref<50x128xf32, #tpu.memory_space<vmem_shared>>) target_semaphore(%run_scoped3A : memref<!tpu.dma_semaphore, #tpu.memory_space<semaphore_mem>>)
      %dma_wait3A_108 = arith.constant 0 : i32
      %dma_wait3A_109 = tpu.memref_slice %arg6[%add3A_39, %dma_wait3A_108] : memref<10000x128xf32, #tpu.memory_space<vmem_shared>> -> memref<50x128xf32, #tpu.memory_space<vmem_shared>>
      %dma_wait3A_110 = arith.constant 0 : i32
      %dma_wait3A_111 = tpu.memref_slice %arg6[%add3A_39, %dma_wait3A_110] : memref<10000x128xf32, #tpu.memory_space<vmem_shared>> -> memref<50x128xf32, #tpu.memory_space<vmem_shared>>
      tpu.wait_dma2 semaphore(%run_scoped3A : memref<!tpu.dma_semaphore, #tpu.memory_space<semaphore_mem>>) src(%arg10 : memref<50x128xf32, #tpu.memory_space<vmem>>) dst(%dma_wait3A_111 : memref<50x128xf32, #tpu.memory_space<vmem_shared>>)
      tpu.yield
    }) : () -> ()
    %add3A_40 = arith.constant 150 : i32
    %add3A_41 = arith.addi %mul3A_33, %add3A_40 : i32
    "tpu.region"() ({
      %run_scoped3A = tpu.sem_alloc : memref<!tpu.dma_semaphore, #tpu.memory_space<semaphore_mem>>
      %dma_start3A_104 = arith.constant 0 : i32
      %dma_start3A_105 = tpu.memref_slice %arg6[%add3A_41, %dma_start3A_104] : memref<10000x128xf32, #tpu.memory_space<vmem_shared>> -> memref<50x128xf32, #tpu.memory_space<vmem_shared>>
      %dma_start3A_106 = arith.constant 0 : i32
      %dma_start3A_107 = tpu.memref_slice %arg6[%add3A_41, %dma_start3A_106] : memref<10000x128xf32, #tpu.memory_space<vmem_shared>> -> memref<50x128xf32, #tpu.memory_space<vmem_shared>>
      tpu.enqueue_dma source(%arg10 : memref<50x128xf32, #tpu.memory_space<vmem>>) target(%dma_start3A_107 : memref<50x128xf32, #tpu.memory_space<vmem_shared>>) target_semaphore(%run_scoped3A : memref<!tpu.dma_semaphore, #tpu.memory_space<semaphore_mem>>)
      %dma_wait3A_108 = arith.constant 0 : i32
      %dma_wait3A_109 = tpu.memref_slice %arg6[%add3A_41, %dma_wait3A_108] : memref<10000x128xf32, #tpu.memory_space<vmem_shared>> -> memref<50x128xf32, #tpu.memory_space<vmem_shared>>
      %dma_wait3A_110 = arith.constant 0 : i32
      %dma_wait3A_111 = tpu.memref_slice %arg6[%add3A_41, %dma_wait3A_110] : memref<10000x128xf32, #tpu.memory_space<vmem_shared>> -> memref<50x128xf32, #tpu.memory_space<vmem_shared>>
      tpu.wait_dma2 semaphore(%run_scoped3A : memref<!tpu.dma_semaphore, #tpu.memory_space<semaphore_mem>>) src(%arg10 : memref<50x128xf32, #tpu.memory_space<vmem>>) dst(%dma_wait3A_111 : memref<50x128xf32, #tpu.memory_space<vmem_shared>>)
      tpu.yield
    }) : () -> ()
    %add3A_42 = arith.constant 200 : i32
    %add3A_43 = arith.addi %mul3A_33, %add3A_42 : i32
    "tpu.region"() ({
      %run_scoped3A = tpu.sem_alloc : memref<!tpu.dma_semaphore, #tpu.memory_space<semaphore_mem>>
      %dma_start3A_104 = arith.constant 0 : i32
      %dma_start3A_105 = tpu.memref_slice %arg6[%add3A_43, %dma_start3A_104] : memref<10000x128xf32, #tpu.memory_space<vmem_shared>> -> memref<50x128xf32, #tpu.memory_space<vmem_shared>>
      %dma_start3A_106 = arith.constant 0 : i32
      %dma_start3A_107 = tpu.memref_slice %arg6[%add3A_43, %dma_start3A_106] : memref<10000x128xf32, #tpu.memory_space<vmem_shared>> -> memref<50x128xf32, #tpu.memory_space<vmem_shared>>
      tpu.enqueue_dma source(%arg10 : memref<50x128xf32, #tpu.memory_space<vmem>>) target(%dma_start3A_107 : memref<50x128xf32, #tpu.memory_space<vmem_shared>>) target_semaphore(%run_scoped3A : memref<!tpu.dma_semaphore, #tpu.memory_space<semaphore_mem>>)
      %dma_wait3A_108 = arith.constant 0 : i32
      %dma_wait3A_109 = tpu.memref_slice %arg6[%add3A_43, %dma_wait3A_108] : memref<10000x128xf32, #tpu.memory_space<vmem_shared>> -> memref<50x128xf32, #tpu.memory_space<vmem_shared>>
      %dma_wait3A_110 = arith.constant 0 : i32
      %dma_wait3A_111 = tpu.memref_slice %arg6[%add3A_43, %dma_wait3A_110] : memref<10000x128xf32, #tpu.memory_space<vmem_shared>> -> memref<50x128xf32, #tpu.memory_space<vmem_shared>>
      tpu.wait_dma2 semaphore(%run_scoped3A : memref<!tpu.dma_semaphore, #tpu.memory_space<semaphore_mem>>) src(%arg10 : memref<50x128xf32, #tpu.memory_space<vmem>>) dst(%dma_wait3A_111 : memref<50x128xf32, #tpu.memory_space<vmem_shared>>)
      tpu.yield
    }) : () -> ()
    %add3A_44 = arith.constant 250 : i32
    %add3A_45 = arith.addi %mul3A_33, %add3A_44 : i32
    "tpu.region"() ({
      %run_scoped3A = tpu.sem_alloc : memref<!tpu.dma_semaphore, #tpu.memory_space<semaphore_mem>>
      %dma_start3A_104 = arith.constant 0 : i32
      %dma_start3A_105 = tpu.memref_slice %arg6[%add3A_45, %dma_start3A_104] : memref<10000x128xf32, #tpu.memory_space<vmem_shared>> -> memref<50x128xf32, #tpu.memory_space<vmem_shared>>
      %dma_start3A_106 = arith.constant 0 : i32
      %dma_start3A_107 = tpu.memref_slice %arg6[%add3A_45, %dma_start3A_106] : memref<10000x128xf32, #tpu.memory_space<vmem_shared>> -> memref<50x128xf32, #tpu.memory_space<vmem_shared>>
      tpu.enqueue_dma source(%arg10 : memref<50x128xf32, #tpu.memory_space<vmem>>) target(%dma_start3A_107 : memref<50x128xf32, #tpu.memory_space<vmem_shared>>) target_semaphore(%run_scoped3A : memref<!tpu.dma_semaphore, #tpu.memory_space<semaphore_mem>>)
      %dma_wait3A_108 = arith.constant 0 : i32
      %dma_wait3A_109 = tpu.memref_slice %arg6[%add3A_45, %dma_wait3A_108] : memref<10000x128xf32, #tpu.memory_space<vmem_shared>> -> memref<50x128xf32, #tpu.memory_space<vmem_shared>>
      %dma_wait3A_110 = arith.constant 0 : i32
      %dma_wait3A_111 = tpu.memref_slice %arg6[%add3A_45, %dma_wait3A_110] : memref<10000x128xf32, #tpu.memory_space<vmem_shared>> -> memref<50x128xf32, #tpu.memory_space<vmem_shared>>
      tpu.wait_dma2 semaphore(%run_scoped3A : memref<!tpu.dma_semaphore, #tpu.memory_space<semaphore_mem>>) src(%arg10 : memref<50x128xf32, #tpu.memory_space<vmem>>) dst(%dma_wait3A_111 : memref<50x128xf32, #tpu.memory_space<vmem_shared>>)
      tpu.yield
    }) : () -> ()
    %add3A_46 = arith.constant 300 : i32
    %add3A_47 = arith.addi %mul3A_33, %add3A_46 : i32
    "tpu.region"() ({
      %run_scoped3A = tpu.sem_alloc : memref<!tpu.dma_semaphore, #tpu.memory_space<semaphore_mem>>
      %dma_start3A_104 = arith.constant 0 : i32
      %dma_start3A_105 = tpu.memref_slice %arg6[%add3A_47, %dma_start3A_104] : memref<10000x128xf32, #tpu.memory_space<vmem_shared>> -> memref<50x128xf32, #tpu.memory_space<vmem_shared>>
      %dma_start3A_106 = arith.constant 0 : i32
      %dma_start3A_107 = tpu.memref_slice %arg6[%add3A_47, %dma_start3A_106] : memref<10000x128xf32, #tpu.memory_space<vmem_shared>> -> memref<50x128xf32, #tpu.memory_space<vmem_shared>>
      tpu.enqueue_dma source(%arg10 : memref<50x128xf32, #tpu.memory_space<vmem>>) target(%dma_start3A_107 : memref<50x128xf32, #tpu.memory_space<vmem_shared>>) target_semaphore(%run_scoped3A : memref<!tpu.dma_semaphore, #tpu.memory_space<semaphore_mem>>)
      %dma_wait3A_108 = arith.constant 0 : i32
      %dma_wait3A_109 = tpu.memref_slice %arg6[%add3A_47, %dma_wait3A_108] : memref<10000x128xf32, #tpu.memory_space<vmem_shared>> -> memref<50x128xf32, #tpu.memory_space<vmem_shared>>
      %dma_wait3A_110 = arith.constant 0 : i32
      %dma_wait3A_111 = tpu.memref_slice %arg6[%add3A_47, %dma_wait3A_110] : memref<10000x128xf32, #tpu.memory_space<vmem_shared>> -> memref<50x128xf32, #tpu.memory_space<vmem_shared>>
      tpu.wait_dma2 semaphore(%run_scoped3A : memref<!tpu.dma_semaphore, #tpu.memory_space<semaphore_mem>>) src(%arg10 : memref<50x128xf32, #tpu.memory_space<vmem>>) dst(%dma_wait3A_111 : memref<50x128xf32, #tpu.memory_space<vmem_shared>>)
      tpu.yield
    }) : () -> ()
    %add3A_48 = arith.constant 350 : i32
    %add3A_49 = arith.addi %mul3A_33, %add3A_48 : i32
    "tpu.region"() ({
      %run_scoped3A = tpu.sem_alloc : memref<!tpu.dma_semaphore, #tpu.memory_space<semaphore_mem>>
      %dma_start3A_104 = arith.constant 0 : i32
      %dma_start3A_105 = tpu.memref_slice %arg6[%add3A_49, %dma_start3A_104] : memref<10000x128xf32, #tpu.memory_space<vmem_shared>> -> memref<50x128xf32, #tpu.memory_space<vmem_shared>>
      %dma_start3A_106 = arith.constant 0 : i32
      %dma_start3A_107 = tpu.memref_slice %arg6[%add3A_49, %dma_start3A_106] : memref<10000x128xf32, #tpu.memory_space<vmem_shared>> -> memref<50x128xf32, #tpu.memory_space<vmem_shared>>
      tpu.enqueue_dma source(%arg10 : memref<50x128xf32, #tpu.memory_space<vmem>>) target(%dma_start3A_107 : memref<50x128xf32, #tpu.memory_space<vmem_shared>>) target_semaphore(%run_scoped3A : memref<!tpu.dma_semaphore, #tpu.memory_space<semaphore_mem>>)
      %dma_wait3A_108 = arith.constant 0 : i32
      %dma_wait3A_109 = tpu.memref_slice %arg6[%add3A_49, %dma_wait3A_108] : memref<10000x128xf32, #tpu.memory_space<vmem_shared>> -> memref<50x128xf32, #tpu.memory_space<vmem_shared>>
      %dma_wait3A_110 = arith.constant 0 : i32
      %dma_wait3A_111 = tpu.memref_slice %arg6[%add3A_49, %dma_wait3A_110] : memref<10000x128xf32, #tpu.memory_space<vmem_shared>> -> memref<50x128xf32, #tpu.memory_space<vmem_shared>>
      tpu.wait_dma2 semaphore(%run_scoped3A : memref<!tpu.dma_semaphore, #tpu.memory_space<semaphore_mem>>) src(%arg10 : memref<50x128xf32, #tpu.memory_space<vmem>>) dst(%dma_wait3A_111 : memref<50x128xf32, #tpu.memory_space<vmem_shared>>)
      tpu.yield
    }) : () -> ()
    %add3A_50 = arith.constant 400 : i32
    %add3A_51 = arith.addi %mul3A_33, %add3A_50 : i32
    "tpu.region"() ({
      %run_scoped3A = tpu.sem_alloc : memref<!tpu.dma_semaphore, #tpu.memory_space<semaphore_mem>>
      %dma_start3A_104 = arith.constant 0 : i32
      %dma_start3A_105 = tpu.memref_slice %arg6[%add3A_51, %dma_start3A_104] : memref<10000x128xf32, #tpu.memory_space<vmem_shared>> -> memref<50x128xf32, #tpu.memory_space<vmem_shared>>
      %dma_start3A_106 = arith.constant 0 : i32
      %dma_start3A_107 = tpu.memref_slice %arg6[%add3A_51, %dma_start3A_106] : memref<10000x128xf32, #tpu.memory_space<vmem_shared>> -> memref<50x128xf32, #tpu.memory_space<vmem_shared>>
      tpu.enqueue_dma source(%arg10 : memref<50x128xf32, #tpu.memory_space<vmem>>) target(%dma_start3A_107 : memref<50x128xf32, #tpu.memory_space<vmem_shared>>) target_semaphore(%run_scoped3A : memref<!tpu.dma_semaphore, #tpu.memory_space<semaphore_mem>>)
      %dma_wait3A_108 = arith.constant 0 : i32
      %dma_wait3A_109 = tpu.memref_slice %arg6[%add3A_51, %dma_wait3A_108] : memref<10000x128xf32, #tpu.memory_space<vmem_shared>> -> memref<50x128xf32, #tpu.memory_space<vmem_shared>>
      %dma_wait3A_110 = arith.constant 0 : i32
      %dma_wait3A_111 = tpu.memref_slice %arg6[%add3A_51, %dma_wait3A_110] : memref<10000x128xf32, #tpu.memory_space<vmem_shared>> -> memref<50x128xf32, #tpu.memory_space<vmem_shared>>
      tpu.wait_dma2 semaphore(%run_scoped3A : memref<!tpu.dma_semaphore, #tpu.memory_space<semaphore_mem>>) src(%arg10 : memref<50x128xf32, #tpu.memory_space<vmem>>) dst(%dma_wait3A_111 : memref<50x128xf32, #tpu.memory_space<vmem_shared>>)
      tpu.yield
    }) : () -> ()
    %add3A_52 = arith.constant 450 : i32
    %add3A_53 = arith.addi %mul3A_33, %add3A_52 : i32
    "tpu.region"() ({
      %run_scoped3A = tpu.sem_alloc : memref<!tpu.dma_semaphore, #tpu.memory_space<semaphore_mem>>
      %dma_start3A_104 = arith.constant 0 : i32
      %dma_start3A_105 = tpu.memref_slice %arg6[%add3A_53, %dma_start3A_104] : memref<10000x128xf32, #tpu.memory_space<vmem_shared>> -> memref<50x128xf32, #tpu.memory_space<vmem_shared>>
      %dma_start3A_106 = arith.constant 0 : i32
      %dma_start3A_107 = tpu.memref_slice %arg6[%add3A_53, %dma_start3A_106] : memref<10000x128xf32, #tpu.memory_space<vmem_shared>> -> memref<50x128xf32, #tpu.memory_space<vmem_shared>>
      tpu.enqueue_dma source(%arg10 : memref<50x128xf32, #tpu.memory_space<vmem>>) target(%dma_start3A_107 : memref<50x128xf32, #tpu.memory_space<vmem_shared>>) target_semaphore(%run_scoped3A : memref<!tpu.dma_semaphore, #tpu.memory_space<semaphore_mem>>)
      %dma_wait3A_108 = arith.constant 0 : i32
      %dma_wait3A_109 = tpu.memref_slice %arg6[%add3A_53, %dma_wait3A_108] : memref<10000x128xf32, #tpu.memory_space<vmem_shared>> -> memref<50x128xf32, #tpu.memory_space<vmem_shared>>
      %dma_wait3A_110 = arith.constant 0 : i32
      %dma_wait3A_111 = tpu.memref_slice %arg6[%add3A_53, %dma_wait3A_110] : memref<10000x128xf32, #tpu.memory_space<vmem_shared>> -> memref<50x128xf32, #tpu.memory_space<vmem_shared>>
      tpu.wait_dma2 semaphore(%run_scoped3A : memref<!tpu.dma_semaphore, #tpu.memory_space<semaphore_mem>>) src(%arg10 : memref<50x128xf32, #tpu.memory_space<vmem>>) dst(%dma_wait3A_111 : memref<50x128xf32, #tpu.memory_space<vmem_shared>>)
      tpu.yield
    }) : () -> ()
    %add3A_54 = arith.constant 500 : i32
    %add3A_55 = arith.addi %mul3A_33, %add3A_54 : i32
    "tpu.region"() ({
      %run_scoped3A = tpu.sem_alloc : memref<!tpu.dma_semaphore, #tpu.memory_space<semaphore_mem>>
      %dma_start3A_104 = arith.constant 0 : i32
      %dma_start3A_105 = tpu.memref_slice %arg6[%add3A_55, %dma_start3A_104] : memref<10000x128xf32, #tpu.memory_space<vmem_shared>> -> memref<50x128xf32, #tpu.memory_space<vmem_shared>>
      %dma_start3A_106 = arith.constant 0 : i32
      %dma_start3A_107 = tpu.memref_slice %arg6[%add3A_55, %dma_start3A_106] : memref<10000x128xf32, #tpu.memory_space<vmem_shared>> -> memref<50x128xf32, #tpu.memory_space<vmem_shared>>
      tpu.enqueue_dma source(%arg10 : memref<50x128xf32, #tpu.memory_space<vmem>>) target(%dma_start3A_107 : memref<50x128xf32, #tpu.memory_space<vmem_shared>>) target_semaphore(%run_scoped3A : memref<!tpu.dma_semaphore, #tpu.memory_space<semaphore_mem>>)
      %dma_wait3A_108 = arith.constant 0 : i32
      %dma_wait3A_109 = tpu.memref_slice %arg6[%add3A_55, %dma_wait3A_108] : memref<10000x128xf32, #tpu.memory_space<vmem_shared>> -> memref<50x128xf32, #tpu.memory_space<vmem_shared>>
      %dma_wait3A_110 = arith.constant 0 : i32
      %dma_wait3A_111 = tpu.memref_slice %arg6[%add3A_55, %dma_wait3A_110] : memref<10000x128xf32, #tpu.memory_space<vmem_shared>> -> memref<50x128xf32, #tpu.memory_space<vmem_shared>>
      tpu.wait_dma2 semaphore(%run_scoped3A : memref<!tpu.dma_semaphore, #tpu.memory_space<semaphore_mem>>) src(%arg10 : memref<50x128xf32, #tpu.memory_space<vmem>>) dst(%dma_wait3A_111 : memref<50x128xf32, #tpu.memory_space<vmem_shared>>)
      tpu.yield
    }) : () -> ()
    %add3A_56 = arith.constant 550 : i32
    %add3A_57 = arith.addi %mul3A_33, %add3A_56 : i32
    "tpu.region"() ({
      %run_scoped3A = tpu.sem_alloc : memref<!tpu.dma_semaphore, #tpu.memory_space<semaphore_mem>>
      %dma_start3A_104 = arith.constant 0 : i32
      %dma_start3A_105 = tpu.memref_slice %arg6[%add3A_57, %dma_start3A_104] : memref<10000x128xf32, #tpu.memory_space<vmem_shared>> -> memref<50x128xf32, #tpu.memory_space<vmem_shared>>
      %dma_start3A_106 = arith.constant 0 : i32
      %dma_start3A_107 = tpu.memref_slice %arg6[%add3A_57, %dma_start3A_106] : memref<10000x128xf32, #tpu.memory_space<vmem_shared>> -> memref<50x128xf32, #tpu.memory_space<vmem_shared>>
      tpu.enqueue_dma source(%arg10 : memref<50x128xf32, #tpu.memory_space<vmem>>) target(%dma_start3A_107 : memref<50x128xf32, #tpu.memory_space<vmem_shared>>) target_semaphore(%run_scoped3A : memref<!tpu.dma_semaphore, #tpu.memory_space<semaphore_mem>>)
      %dma_wait3A_108 = arith.constant 0 : i32
      %dma_wait3A_109 = tpu.memref_slice %arg6[%add3A_57, %dma_wait3A_108] : memref<10000x128xf32, #tpu.memory_space<vmem_shared>> -> memref<50x128xf32, #tpu.memory_space<vmem_shared>>
      %dma_wait3A_110 = arith.constant 0 : i32
      %dma_wait3A_111 = tpu.memref_slice %arg6[%add3A_57, %dma_wait3A_110] : memref<10000x128xf32, #tpu.memory_space<vmem_shared>> -> memref<50x128xf32, #tpu.memory_space<vmem_shared>>
      tpu.wait_dma2 semaphore(%run_scoped3A : memref<!tpu.dma_semaphore, #tpu.memory_space<semaphore_mem>>) src(%arg10 : memref<50x128xf32, #tpu.memory_space<vmem>>) dst(%dma_wait3A_111 : memref<50x128xf32, #tpu.memory_space<vmem_shared>>)
      tpu.yield
    }) : () -> ()
    %add3A_58 = arith.constant 600 : i32
    %add3A_59 = arith.addi %mul3A_33, %add3A_58 : i32
    "tpu.region"() ({
      %run_scoped3A = tpu.sem_alloc : memref<!tpu.dma_semaphore, #tpu.memory_space<semaphore_mem>>
      %dma_start3A_104 = arith.constant 0 : i32
      %dma_start3A_105 = arith.constant 0 : i32
      %dma_start3A_106 = tpu.memref_slice %arg10[%dma_start3A_104, %dma_start3A_105] : memref<50x128xf32, #tpu.memory_space<vmem>> -> memref<24x128xf32, #tpu.memory_space<vmem>>
      %dma_start3A_107 = arith.constant 0 : i32
      %dma_start3A_108 = tpu.memref_slice %arg6[%add3A_59, %dma_start3A_107] : memref<10000x128xf32, #tpu.memory_space<vmem_shared>> -> memref<24x128xf32, #tpu.memory_space<vmem_shared>>
      %dma_start3A_109 = arith.constant 0 : i32
      %dma_start3A_110 = tpu.memref_slice %arg6[%add3A_59, %dma_start3A_109] : memref<10000x128xf32, #tpu.memory_space<vmem_shared>> -> memref<24x128xf32, #tpu.memory_space<vmem_shared>>
      %dma_start3A_111 = arith.constant 0 : i32
      %dma_start3A_112 = arith.constant 0 : i32
      %dma_start3A_113 = tpu.memref_slice %arg10[%dma_start3A_111, %dma_start3A_112] : memref<50x128xf32, #tpu.memory_space<vmem>> -> memref<24x128xf32, #tpu.memory_space<vmem>>
      tpu.enqueue_dma source(%dma_start3A_113 : memref<24x128xf32, #tpu.memory_space<vmem>>) target(%dma_start3A_110 : memref<24x128xf32, #tpu.memory_space<vmem_shared>>) target_semaphore(%run_scoped3A : memref<!tpu.dma_semaphore, #tpu.memory_space<semaphore_mem>>)
      %dma_wait3A_114 = arith.constant 0 : i32
      %dma_wait3A_115 = arith.constant 0 : i32
      %dma_wait3A_116 = tpu.memref_slice %arg10[%dma_wait3A_114, %dma_wait3A_115] : memref<50x128xf32, #tpu.memory_space<vmem>> -> memref<24x128xf32, #tpu.memory_space<vmem>>
      %dma_wait3A_117 = arith.constant 0 : i32
      %dma_wait3A_118 = tpu.memref_slice %arg6[%add3A_59, %dma_wait3A_117] : memref<10000x128xf32, #tpu.memory_space<vmem_shared>> -> memref<24x128xf32, #tpu.memory_space<vmem_shared>>
      %dma_wait3A_119 = arith.constant 0 : i32
      %dma_wait3A_120 = tpu.memref_slice %arg6[%add3A_59, %dma_wait3A_119] : memref<10000x128xf32, #tpu.memory_space<vmem_shared>> -> memref<24x128xf32, #tpu.memory_space<vmem_shared>>
      %dma_wait3A_121 = arith.constant 0 : i32
      %dma_wait3A_122 = arith.constant 0 : i32
      %dma_wait3A_123 = tpu.memref_slice %arg10[%dma_wait3A_121, %dma_wait3A_122] : memref<50x128xf32, #tpu.memory_space<vmem>> -> memref<24x128xf32, #tpu.memory_space<vmem>>
      tpu.wait_dma2 semaphore(%run_scoped3A : memref<!tpu.dma_semaphore, #tpu.memory_space<semaphore_mem>>) src(%dma_wait3A_123 : memref<24x128xf32, #tpu.memory_space<vmem>>) dst(%dma_wait3A_120 : memref<24x128xf32, #tpu.memory_space<vmem_shared>>)
      tpu.yield
    }) : () -> ()
    %eq3A = arith.constant 15 : i32
    %eq3A_60 = arith.cmpi eq, %arg1, %eq3A : i32
    %convert_element_type3A = arith.extui %eq3A_60 : i1 to i32
    %cond3A = arith.constant 0 : i32
    %cond3A_61 = arith.cmpi ne, %convert_element_type3A, %cond3A : i32
    scf.if %cond3A_61 {
      %add3A_104 = arith.constant 624 : i32
      %add3A_105 = arith.addi %mul3A_33, %add3A_104 : i32
      "tpu.region"() ({
        %run_scoped3A = tpu.sem_alloc : memref<!tpu.dma_semaphore, #tpu.memory_space<semaphore_mem>>
        %dma_start3A_106 = arith.constant 0 : i32
        %dma_start3A_107 = arith.constant 0 : i32
        %dma_start3A_108 = tpu.memref_slice %arg10[%dma_start3A_106, %dma_start3A_107] : memref<50x128xf32, #tpu.memory_space<vmem>> -> memref<16x128xf32, #tpu.memory_space<vmem>>
        %dma_start3A_109 = arith.constant 0 : i32
        %dma_start3A_110 = tpu.memref_slice %arg6[%add3A_105, %dma_start3A_109] : memref<10000x128xf32, #tpu.memory_space<vmem_shared>> -> memref<16x128xf32, #tpu.memory_space<vmem_shared>>
        %dma_start3A_111 = arith.constant 0 : i32
        %dma_start3A_112 = tpu.memref_slice %arg6[%add3A_105, %dma_start3A_111] : memref<10000x128xf32, #tpu.memory_space<vmem_shared>> -> memref<16x128xf32, #tpu.memory_space<vmem_shared>>
        %dma_start3A_113 = arith.constant 0 : i32
        %dma_start3A_114 = arith.constant 0 : i32
        %dma_start3A_115 = tpu.memref_slice %arg10[%dma_start3A_113, %dma_start3A_114] : memref<50x128xf32, #tpu.memory_space<vmem>> -> memref<16x128xf32, #tpu.memory_space<vmem>>
        tpu.enqueue_dma source(%dma_start3A_115 : memref<16x128xf32, #tpu.memory_space<vmem>>) target(%dma_start3A_112 : memref<16x128xf32, #tpu.memory_space<vmem_shared>>) target_semaphore(%run_scoped3A : memref<!tpu.dma_semaphore, #tpu.memory_space<semaphore_mem>>)
        %dma_wait3A_116 = arith.constant 0 : i32
        %dma_wait3A_117 = arith.constant 0 : i32
        %dma_wait3A_118 = tpu.memref_slice %arg10[%dma_wait3A_116, %dma_wait3A_117] : memref<50x128xf32, #tpu.memory_space<vmem>> -> memref<16x128xf32, #tpu.memory_space<vmem>>
        %dma_wait3A_119 = arith.constant 0 : i32
        %dma_wait3A_120 = tpu.memref_slice %arg6[%add3A_105, %dma_wait3A_119] : memref<10000x128xf32, #tpu.memory_space<vmem_shared>> -> memref<16x128xf32, #tpu.memory_space<vmem_shared>>
        %dma_wait3A_121 = arith.constant 0 : i32
        %dma_wait3A_122 = tpu.memref_slice %arg6[%add3A_105, %dma_wait3A_121] : memref<10000x128xf32, #tpu.memory_space<vmem_shared>> -> memref<16x128xf32, #tpu.memory_space<vmem_shared>>
        %dma_wait3A_123 = arith.constant 0 : i32
        %dma_wait3A_124 = arith.constant 0 : i32
        %dma_wait3A_125 = tpu.memref_slice %arg10[%dma_wait3A_123, %dma_wait3A_124] : memref<50x128xf32, #tpu.memory_space<vmem>> -> memref<16x128xf32, #tpu.memory_space<vmem>>
        tpu.wait_dma2 semaphore(%run_scoped3A : memref<!tpu.dma_semaphore, #tpu.memory_space<semaphore_mem>>) src(%dma_wait3A_125 : memref<16x128xf32, #tpu.memory_space<vmem>>) dst(%dma_wait3A_122 : memref<16x128xf32, #tpu.memory_space<vmem_shared>>)
        tpu.yield
      }) : () -> ()
    } else {
    }
    %dma_wait3A = arith.constant 0 : i32
    %dma_wait3A_62 = arith.constant 0 : i32
    %dma_wait3A_63 = arith.constant 0 : i32
    %dma_wait3A_64 = tpu.memref_slice %arg3[%dma_wait3A, %add3A, %dma_wait3A_62, %dma_wait3A_63] : memref<2x32x200x50xi32, #tpu.memory_space<hbm>> -> memref<1x1x200x50xi32, #tpu.memory_space<hbm>>
    %dma_wait3A_65 = tpu.memref_squeeze %dma_wait3A_64 : memref<1x1x200x50xi32, #tpu.memory_space<hbm>> -> memref<200x50xi32, #tpu.memory_space<hbm>>
    %dma_wait3A_66 = arith.constant 0 : i32
    %dma_wait3A_67 = arith.constant 0 : i32
    %dma_wait3A_68 = tpu.memref_slice %arg3[%dma_wait3A, %add3A, %dma_wait3A_66, %dma_wait3A_67] : memref<2x32x200x50xi32, #tpu.memory_space<hbm>> -> memref<1x1x200x50xi32, #tpu.memory_space<hbm>>
    %dma_wait3A_69 = tpu.memref_squeeze %dma_wait3A_68 : memref<1x1x200x50xi32, #tpu.memory_space<hbm>> -> memref<200x50xi32, #tpu.memory_space<hbm>>
    tpu.wait_dma2 semaphore(%arg12 : memref<!tpu.dma_semaphore, #tpu.memory_space<semaphore_mem>>) src(%dma_wait3A_69 : memref<200x50xi32, #tpu.memory_space<hbm>>) dst(%arg7 : memref<200x50xi32, #tpu.memory_space<vmem>>)
    %dma_wait3A_70 = arith.constant 1 : i32
    %dma_wait3A_71 = arith.constant 0 : i32
    %dma_wait3A_72 = arith.constant 0 : i32
    %dma_wait3A_73 = tpu.memref_slice %arg3[%dma_wait3A_70, %add3A, %dma_wait3A_71, %dma_wait3A_72] : memref<2x32x200x50xi32, #tpu.memory_space<hbm>> -> memref<1x1x200x50xi32, #tpu.memory_space<hbm>>
    %dma_wait3A_74 = tpu.memref_squeeze %dma_wait3A_73 : memref<1x1x200x50xi32, #tpu.memory_space<hbm>> -> memref<200x50xi32, #tpu.memory_space<hbm>>
    %dma_wait3A_75 = arith.constant 0 : i32
    %dma_wait3A_76 = arith.constant 0 : i32
    %dma_wait3A_77 = tpu.memref_slice %arg3[%dma_wait3A_70, %add3A, %dma_wait3A_75, %dma_wait3A_76] : memref<2x32x200x50xi32, #tpu.memory_space<hbm>> -> memref<1x1x200x50xi32, #tpu.memory_space<hbm>>
    %dma_wait3A_78 = tpu.memref_squeeze %dma_wait3A_77 : memref<1x1x200x50xi32, #tpu.memory_space<hbm>> -> memref<200x50xi32, #tpu.memory_space<hbm>>
    tpu.wait_dma2 semaphore(%arg13 : memref<!tpu.dma_semaphore, #tpu.memory_space<semaphore_mem>>) src(%dma_wait3A_78 : memref<200x50xi32, #tpu.memory_space<hbm>>) dst(%arg8 : memref<200x50xi32, #tpu.memory_space<vmem>>)
    %barrier3A = arith.constant 0 : index
    tpu.barrier barrier_id(%barrier3A)
    %add3A_79 = arith.constant 1.000000e+00 : f32
    %add3A_80 = vector.broadcast %add3A_79 : f32 to vector<16xf32>
    %add3A_81 = arith.addf %broadcast_in_dim3A_18, %add3A_80 : vector<16xf32>
    %iota3A = tpu.iota {dimensions = array<i32: 0>} : vector<16xi32>
    %ge3A = arith.constant 14 : i32
    %ge3A_82 = vector.broadcast %ge3A : i32 to vector<16xi32>
    %ge3A_83 = arith.cmpi sge, %iota3A, %ge3A_82 : vector<16xi32>
    %dma_start3A_84 = arith.constant 0 : i32
    %dma_start3A_85 = arith.constant 0 : i32
    %dma_start3A_86 = tpu.memref_slice %arg7[%dma_start3A_84, %dma_start3A_85] : memref<200x50xi32, #tpu.memory_space<vmem>> -> memref<1x50xi32, #tpu.memory_space<vmem>>
    %dma_start3A_87 = tpu.memref_squeeze %dma_start3A_86 : memref<1x50xi32, #tpu.memory_space<vmem>> -> memref<50xi32, #tpu.memory_space<vmem>>
    %dma_start3A_88 = arith.constant 0 : i32
    %dma_start3A_89 = arith.constant 0 : i32
    %dma_start3A_90 = tpu.memref_slice %arg2[%dma_start3A_88, %dma_start3A_89] : memref<10000x128xf32, #tpu.memory_space<hbm>> -> memref<10000x128xf32, #tpu.memory_space<hbm>>
    tpu.enqueue_indirect_dma source(%dma_start3A_90 : memref<10000x128xf32, #tpu.memory_space<hbm>>) target(%arg10 : memref<50x128xf32, #tpu.memory_space<vmem>>) offsets(%dma_start3A_87 : memref<50xi32, #tpu.memory_space<vmem>>) semaphore(%arg12 : memref<!tpu.dma_semaphore, #tpu.memory_space<semaphore_mem>>)
    %scan3A_91 = arith.constant 0 : i32
    %scan3A_92 = arith.constant 0 : i32
    %scan3A_93 = arith.constant 100 : i32
    %scan3A_94 = arith.addi %scan3A_92, %scan3A_93 : i32
    %scan3A_95 = arith.constant 1 : i32
    %scan3A_96 = scf.for %scan3A_104 = %scan3A_92 to %scan3A_94 step %scan3A_95 iter_args(%scan3A_105 = %scan3A_91) -> (i32)  : i32 {
      %mul3A_106 = arith.constant 2 : i32
      %mul3A_107 = arith.muli %mul3A_106, %scan3A_104 : i32
      %add3A_108 = arith.constant 1 : i32
      %add3A_109 = arith.addi %mul3A_107, %add3A_108 : i32
      %dma_start3A_110 = arith.constant 0 : i32
      %dma_start3A_111 = tpu.memref_slice %arg7[%add3A_109, %dma_start3A_110] : memref<200x50xi32, #tpu.memory_space<vmem>> -> memref<1x50xi32, #tpu.memory_space<vmem>>
      %dma_start3A_112 = tpu.memref_squeeze %dma_start3A_111 : memref<1x50xi32, #tpu.memory_space<vmem>> -> memref<50xi32, #tpu.memory_space<vmem>>
      %dma_start3A_113 = arith.constant 0 : i32
      %dma_start3A_114 = arith.constant 0 : i32
      %dma_start3A_115 = tpu.memref_slice %arg2[%dma_start3A_113, %dma_start3A_114] : memref<10000x128xf32, #tpu.memory_space<hbm>> -> memref<10000x128xf32, #tpu.memory_space<hbm>>
      tpu.enqueue_indirect_dma source(%dma_start3A_115 : memref<10000x128xf32, #tpu.memory_space<hbm>>) target(%arg11 : memref<50x128xf32, #tpu.memory_space<vmem>>) offsets(%dma_start3A_112 : memref<50xi32, #tpu.memory_space<vmem>>) semaphore(%arg13 : memref<!tpu.dma_semaphore, #tpu.memory_space<semaphore_mem>>)
      %get3A = arith.index_cast %mul3A_107 : i32 to index
      %get3A_116 = arith.constant 0 : index
      %get3A_117 = tpu.vector_load %arg8[%get3A, %get3A_116] {strides = array<i32>} : memref<200x50xi32, #tpu.memory_space<vmem>>, vector<16xi32>,
      tpu.vector_store_idx %arg9[%get3A_117], %add3A_81 {add = true} : memref<10000xf32, #tpu.memory_space<vmem>>[vector<16xi32>], vector<16xf32>,
      %get3A_118 = arith.index_cast %mul3A_107 : i32 to index
      %get3A_119 = arith.constant 16 : index
      %get3A_120 = tpu.vector_load %arg8[%get3A_118, %get3A_119] {strides = array<i32>} : memref<200x50xi32, #tpu.memory_space<vmem>>, vector<16xi32>,
      tpu.vector_store_idx %arg9[%get3A_120], %add3A_81 {add = true} : memref<10000xf32, #tpu.memory_space<vmem>>[vector<16xi32>], vector<16xf32>,
      %get3A_121 = arith.index_cast %mul3A_107 : i32 to index
      %get3A_122 = arith.constant 32 : index
      %get3A_123 = tpu.vector_load %arg8[%get3A_121, %get3A_122] {strides = array<i32>} : memref<200x50xi32, #tpu.memory_space<vmem>>, vector<16xi32>,
      tpu.vector_store_idx %arg9[%get3A_123], %add3A_81 {add = true} : memref<10000xf32, #tpu.memory_space<vmem>>[vector<16xi32>], vector<16xf32>,
      %get3A_124 = arith.index_cast %mul3A_107 : i32 to index
      %get3A_125 = arith.constant 34 : index
      %get3A_126 = tpu.vector_load %arg8[%get3A_124, %get3A_125] {strides = array<i32>} : memref<200x50xi32, #tpu.memory_space<vmem>>, vector<16xi32>,
      tpu.vector_store_idx %arg9[%get3A_126], %add3A_81 masked %ge3A_83 {add = true} : memref<10000xf32, #tpu.memory_space<vmem>>[vector<16xi32>], vector<16xf32>, vector<16xi1>
      %dma_wait3A_127 = arith.constant 0 : i32
      %dma_wait3A_128 = tpu.memref_slice %arg7[%mul3A_107, %dma_wait3A_127] : memref<200x50xi32, #tpu.memory_space<vmem>> -> memref<1x50xi32, #tpu.memory_space<vmem>>
      %dma_wait3A_129 = tpu.memref_squeeze %dma_wait3A_128 : memref<1x50xi32, #tpu.memory_space<vmem>> -> memref<50xi32, #tpu.memory_space<vmem>>
      %dma_wait3A_130 = arith.constant 0 : i32
      %dma_wait3A_131 = arith.constant 0 : i32
      %dma_wait3A_132 = tpu.memref_slice %arg2[%dma_wait3A_130, %dma_wait3A_131] : memref<10000x128xf32, #tpu.memory_space<hbm>> -> memref<10000x128xf32, #tpu.memory_space<hbm>>
      tpu.wait_indirect_dma semaphore(%arg12 : memref<!tpu.dma_semaphore, #tpu.memory_space<semaphore_mem>>) src(%dma_wait3A_132 : memref<10000x128xf32, #tpu.memory_space<hbm>>) dst(%arg10 : memref<50x128xf32, #tpu.memory_space<vmem>>)
      "tpu.region"() ({
        %run_scoped3A = tpu.sem_alloc : memref<!tpu.dma_semaphore, #tpu.memory_space<semaphore_mem>>
        %dma_start3A_162 = arith.constant 0 : i32
        %dma_start3A_163 = tpu.memref_slice %arg8[%mul3A_107, %dma_start3A_162] : memref<200x50xi32, #tpu.memory_space<vmem>> -> memref<1x50xi32, #tpu.memory_space<vmem>>
        %dma_start3A_164 = tpu.memref_squeeze %dma_start3A_163 : memref<1x50xi32, #tpu.memory_space<vmem>> -> memref<50xi32, #tpu.memory_space<vmem>>
        %dma_start3A_165 = arith.constant 0 : i32
        %dma_start3A_166 = arith.constant 0 : i32
        %dma_start3A_167 = tpu.memref_slice %arg6[%dma_start3A_165, %dma_start3A_166] : memref<10000x128xf32, #tpu.memory_space<vmem_shared>> -> memref<10000x128xf32, #tpu.memory_space<vmem_shared>>
        tpu.enqueue_indirect_dma source(%arg10 : memref<50x128xf32, #tpu.memory_space<vmem>>) target(%dma_start3A_167 : memref<10000x128xf32, #tpu.memory_space<vmem_shared>>) offsets(%dma_start3A_164 : memref<50xi32, #tpu.memory_space<vmem>>) semaphore(%run_scoped3A : memref<!tpu.dma_semaphore, #tpu.memory_space<semaphore_mem>>) {add = true}
        %dma_wait3A_168 = arith.constant 0 : i32
        %dma_wait3A_169 = tpu.memref_slice %arg8[%mul3A_107, %dma_wait3A_168] : memref<200x50xi32, #tpu.memory_space<vmem>> -> memref<1x50xi32, #tpu.memory_space<vmem>>
        %dma_wait3A_170 = tpu.memref_squeeze %dma_wait3A_169 : memref<1x50xi32, #tpu.memory_space<vmem>> -> memref<50xi32, #tpu.memory_space<vmem>>
        %dma_wait3A_171 = arith.constant 0 : i32
        %dma_wait3A_172 = arith.constant 0 : i32
        %dma_wait3A_173 = tpu.memref_slice %arg6[%dma_wait3A_171, %dma_wait3A_172] : memref<10000x128xf32, #tpu.memory_space<vmem_shared>> -> memref<10000x128xf32, #tpu.memory_space<vmem_shared>>
        tpu.wait_indirect_dma semaphore(%run_scoped3A : memref<!tpu.dma_semaphore, #tpu.memory_space<semaphore_mem>>) src(%arg10 : memref<50x128xf32, #tpu.memory_space<vmem>>) dst(%dma_wait3A_173 : memref<10000x128xf32, #tpu.memory_space<vmem_shared>>)
        tpu.yield
      }) : () -> ()
      %lt3A = arith.constant 99 : i32
      %lt3A_133 = arith.cmpi slt, %scan3A_104, %lt3A : i32
      %convert_element_type3A_134 = arith.extui %lt3A_133 : i1 to i32
      %cond3A_135 = arith.constant 0 : i32
      %cond3A_136 = arith.cmpi ne, %convert_element_type3A_134, %cond3A_135 : i32
      scf.if %cond3A_136 {
        %add3A_162 = arith.constant 2 : i32
        %add3A_163 = arith.addi %mul3A_107, %add3A_162 : i32
        %dma_start3A_164 = arith.constant 0 : i32
        %dma_start3A_165 = tpu.memref_slice %arg7[%add3A_163, %dma_start3A_164] : memref<200x50xi32, #tpu.memory_space<vmem>> -> memref<1x50xi32, #tpu.memory_space<vmem>>
        %dma_start3A_166 = tpu.memref_squeeze %dma_start3A_165 : memref<1x50xi32, #tpu.memory_space<vmem>> -> memref<50xi32, #tpu.memory_space<vmem>>
        %dma_start3A_167 = arith.constant 0 : i32
        %dma_start3A_168 = arith.constant 0 : i32
        %dma_start3A_169 = tpu.memref_slice %arg2[%dma_start3A_167, %dma_start3A_168] : memref<10000x128xf32, #tpu.memory_space<hbm>> -> memref<10000x128xf32, #tpu.memory_space<hbm>>
        tpu.enqueue_indirect_dma source(%dma_start3A_169 : memref<10000x128xf32, #tpu.memory_space<hbm>>) target(%arg10 : memref<50x128xf32, #tpu.memory_space<vmem>>) offsets(%dma_start3A_166 : memref<50xi32, #tpu.memory_space<vmem>>) semaphore(%arg12 : memref<!tpu.dma_semaphore, #tpu.memory_space<semaphore_mem>>)
      } else {
      }
      %add3A_137 = arith.constant 1 : i32
      %add3A_138 = arith.addi %mul3A_107, %add3A_137 : i32
      %get3A_139 = arith.index_cast %add3A_138 : i32 to index
      %get3A_140 = arith.constant 0 : index
      %get3A_141 = tpu.vector_load %arg8[%get3A_139, %get3A_140] {strides = array<i32>} : memref<200x50xi32, #tpu.memory_space<vmem>>, vector<16xi32>,
      tpu.vector_store_idx %arg9[%get3A_141], %add3A_81 {add = true} : memref<10000xf32, #tpu.memory_space<vmem>>[vector<16xi32>], vector<16xf32>,
      %get3A_142 = arith.index_cast %add3A_138 : i32 to index
      %get3A_143 = arith.constant 16 : index
      %get3A_144 = tpu.vector_load %arg8[%get3A_142, %get3A_143] {strides = array<i32>} : memref<200x50xi32, #tpu.memory_space<vmem>>, vector<16xi32>,
      tpu.vector_store_idx %arg9[%get3A_144], %add3A_81 {add = true} : memref<10000xf32, #tpu.memory_space<vmem>>[vector<16xi32>], vector<16xf32>,
      %get3A_145 = arith.index_cast %add3A_138 : i32 to index
      %get3A_146 = arith.constant 32 : index
      %get3A_147 = tpu.vector_load %arg8[%get3A_145, %get3A_146] {strides = array<i32>} : memref<200x50xi32, #tpu.memory_space<vmem>>, vector<16xi32>,
      tpu.vector_store_idx %arg9[%get3A_147], %add3A_81 {add = true} : memref<10000xf32, #tpu.memory_space<vmem>>[vector<16xi32>], vector<16xf32>,
      %get3A_148 = arith.index_cast %add3A_138 : i32 to index
      %get3A_149 = arith.constant 34 : index
      %get3A_150 = tpu.vector_load %arg8[%get3A_148, %get3A_149] {strides = array<i32>} : memref<200x50xi32, #tpu.memory_space<vmem>>, vector<16xi32>,
      tpu.vector_store_idx %arg9[%get3A_150], %add3A_81 masked %ge3A_83 {add = true} : memref<10000xf32, #tpu.memory_space<vmem>>[vector<16xi32>], vector<16xf32>, vector<16xi1>
      %add3A_151 = arith.constant 1 : i32
      %add3A_152 = arith.addi %mul3A_107, %add3A_151 : i32
      %dma_wait3A_153 = arith.constant 0 : i32
      %dma_wait3A_154 = tpu.memref_slice %arg7[%add3A_152, %dma_wait3A_153] : memref<200x50xi32, #tpu.memory_space<vmem>> -> memref<1x50xi32, #tpu.memory_space<vmem>>
      %dma_wait3A_155 = tpu.memref_squeeze %dma_wait3A_154 : memref<1x50xi32, #tpu.memory_space<vmem>> -> memref<50xi32, #tpu.memory_space<vmem>>
      %dma_wait3A_156 = arith.constant 0 : i32
      %dma_wait3A_157 = arith.constant 0 : i32
      %dma_wait3A_158 = tpu.memref_slice %arg2[%dma_wait3A_156, %dma_wait3A_157] : memref<10000x128xf32, #tpu.memory_space<hbm>> -> memref<10000x128xf32, #tpu.memory_space<hbm>>
      tpu.wait_indirect_dma semaphore(%arg13 : memref<!tpu.dma_semaphore, #tpu.memory_space<semaphore_mem>>) src(%dma_wait3A_158 : memref<10000x128xf32, #tpu.memory_space<hbm>>) dst(%arg11 : memref<50x128xf32, #tpu.memory_space<vmem>>)
      %add3A_159 = arith.constant 1 : i32
      %add3A_160 = arith.addi %mul3A_107, %add3A_159 : i32
      "tpu.region"() ({
        %run_scoped3A = tpu.sem_alloc : memref<!tpu.dma_semaphore, #tpu.memory_space<semaphore_mem>>
        %dma_start3A_162 = arith.constant 0 : i32
        %dma_start3A_163 = tpu.memref_slice %arg8[%add3A_160, %dma_start3A_162] : memref<200x50xi32, #tpu.memory_space<vmem>> -> memref<1x50xi32, #tpu.memory_space<vmem>>
        %dma_start3A_164 = tpu.memref_squeeze %dma_start3A_163 : memref<1x50xi32, #tpu.memory_space<vmem>> -> memref<50xi32, #tpu.memory_space<vmem>>
        %dma_start3A_165 = arith.constant 0 : i32
        %dma_start3A_166 = arith.constant 0 : i32
        %dma_start3A_167 = tpu.memref_slice %arg6[%dma_start3A_165, %dma_start3A_166] : memref<10000x128xf32, #tpu.memory_space<vmem_shared>> -> memref<10000x128xf32, #tpu.memory_space<vmem_shared>>
        tpu.enqueue_indirect_dma source(%arg11 : memref<50x128xf32, #tpu.memory_space<vmem>>) target(%dma_start3A_167 : memref<10000x128xf32, #tpu.memory_space<vmem_shared>>) offsets(%dma_start3A_164 : memref<50xi32, #tpu.memory_space<vmem>>) semaphore(%run_scoped3A : memref<!tpu.dma_semaphore, #tpu.memory_space<semaphore_mem>>) {add = true}
        %dma_wait3A_168 = arith.constant 0 : i32
        %dma_wait3A_169 = tpu.memref_slice %arg8[%add3A_160, %dma_wait3A_168] : memref<200x50xi32, #tpu.memory_space<vmem>> -> memref<1x50xi32, #tpu.memory_space<vmem>>
        %dma_wait3A_170 = tpu.memref_squeeze %dma_wait3A_169 : memref<1x50xi32, #tpu.memory_space<vmem>> -> memref<50xi32, #tpu.memory_space<vmem>>
        %dma_wait3A_171 = arith.constant 0 : i32
        %dma_wait3A_172 = arith.constant 0 : i32
        %dma_wait3A_173 = tpu.memref_slice %arg6[%dma_wait3A_171, %dma_wait3A_172] : memref<10000x128xf32, #tpu.memory_space<vmem_shared>> -> memref<10000x128xf32, #tpu.memory_space<vmem_shared>>
        tpu.wait_indirect_dma semaphore(%run_scoped3A : memref<!tpu.dma_semaphore, #tpu.memory_space<semaphore_mem>>) src(%arg11 : memref<50x128xf32, #tpu.memory_space<vmem>>) dst(%dma_wait3A_173 : memref<10000x128xf32, #tpu.memory_space<vmem_shared>>)
        tpu.yield
      }) : () -> ()
      %scan3A_161 = arith.constant 0 : i32
      scf.yield %scan3A_161 : i32
    }
    %scan3A_97 = arith.constant 100 : i32
    %barrier3A_98 = arith.constant 0 : index
    tpu.barrier barrier_id(%barrier3A_98)
    "tpu.region"() ({
      %run_scoped3A = tpu.sem_alloc : memref<!tpu.dma_semaphore, #tpu.memory_space<semaphore_mem>>
      %dma_start3A_104 = arith.constant 0 : i32
      %dma_start3A_105 = tpu.memref_slice %arg4[%arg0, %mul3A_33, %dma_start3A_104] : memref<2x10000x128xf32, #tpu.memory_space<hbm>> -> memref<1x624x128xf32, #tpu.memory_space<hbm>>
      %dma_start3A_106 = tpu.memref_squeeze %dma_start3A_105 : memref<1x624x128xf32, #tpu.memory_space<hbm>> -> memref<624x128xf32, #tpu.memory_space<hbm>>
      %dma_start3A_107 = arith.constant 0 : i32
      %dma_start3A_108 = tpu.memref_slice %arg6[%mul3A_33, %dma_start3A_107] : memref<10000x128xf32, #tpu.memory_space<vmem_shared>> -> memref<624x128xf32, #tpu.memory_space<vmem_shared>>
      tpu.enqueue_dma source(%dma_start3A_108 : memref<624x128xf32, #tpu.memory_space<vmem_shared>>) target(%dma_start3A_106 : memref<624x128xf32, #tpu.memory_space<hbm>>) target_semaphore(%run_scoped3A : memref<!tpu.dma_semaphore, #tpu.memory_space<semaphore_mem>>)
      %dma_wait3A_109 = arith.constant 0 : i32
      %dma_wait3A_110 = tpu.memref_slice %arg4[%arg0, %mul3A_33, %dma_wait3A_109] : memref<2x10000x128xf32, #tpu.memory_space<hbm>> -> memref<1x624x128xf32, #tpu.memory_space<hbm>>
      %dma_wait3A_111 = tpu.memref_squeeze %dma_wait3A_110 : memref<1x624x128xf32, #tpu.memory_space<hbm>> -> memref<624x128xf32, #tpu.memory_space<hbm>>
      %dma_wait3A_112 = arith.constant 0 : i32
      %dma_wait3A_113 = tpu.memref_slice %arg6[%mul3A_33, %dma_wait3A_112] : memref<10000x128xf32, #tpu.memory_space<vmem_shared>> -> memref<624x128xf32, #tpu.memory_space<vmem_shared>>
      tpu.wait_dma2 semaphore(%run_scoped3A : memref<!tpu.dma_semaphore, #tpu.memory_space<semaphore_mem>>) src(%dma_wait3A_113 : memref<624x128xf32, #tpu.memory_space<vmem_shared>>) dst(%dma_wait3A_111 : memref<624x128xf32, #tpu.memory_space<hbm>>)
      tpu.yield
    }) : () -> ()
    %eq3A_99 = arith.constant 15 : i32
    %eq3A_100 = arith.cmpi eq, %arg1, %eq3A_99 : i32
    %convert_element_type3A_101 = arith.extui %eq3A_100 : i1 to i32
    %cond3A_102 = arith.constant 0 : i32
    %cond3A_103 = arith.cmpi ne, %convert_element_type3A_101, %cond3A_102 : i32
    scf.if %cond3A_103 {
      "tpu.region"() ({
        %run_scoped3A = tpu.sem_alloc : memref<!tpu.dma_semaphore, #tpu.memory_space<semaphore_mem>>
        %dma_start3A_104 = arith.constant 9984 : i32
        %dma_start3A_105 = arith.constant 0 : i32
        %dma_start3A_106 = tpu.memref_slice %arg4[%arg0, %dma_start3A_104, %dma_start3A_105] : memref<2x10000x128xf32, #tpu.memory_space<hbm>> -> memref<1x16x128xf32, #tpu.memory_space<hbm>>
        %dma_start3A_107 = tpu.memref_squeeze %dma_start3A_106 : memref<1x16x128xf32, #tpu.memory_space<hbm>> -> memref<16x128xf32, #tpu.memory_space<hbm>>
        %dma_start3A_108 = arith.constant 9984 : i32
        %dma_start3A_109 = arith.constant 0 : i32
        %dma_start3A_110 = tpu.memref_slice %arg6[%dma_start3A_108, %dma_start3A_109] : memref<10000x128xf32, #tpu.memory_space<vmem_shared>> -> memref<16x128xf32, #tpu.memory_space<vmem_shared>>
        tpu.enqueue_dma source(%dma_start3A_110 : memref<16x128xf32, #tpu.memory_space<vmem_shared>>) target(%dma_start3A_107 : memref<16x128xf32, #tpu.memory_space<hbm>>) target_semaphore(%run_scoped3A : memref<!tpu.dma_semaphore, #tpu.memory_space<semaphore_mem>>)
        %dma_wait3A_111 = arith.constant 9984 : i32
        %dma_wait3A_112 = arith.constant 0 : i32
        %dma_wait3A_113 = tpu.memref_slice %arg4[%arg0, %dma_wait3A_111, %dma_wait3A_112] : memref<2x10000x128xf32, #tpu.memory_space<hbm>> -> memref<1x16x128xf32, #tpu.memory_space<hbm>>
        %dma_wait3A_114 = tpu.memref_squeeze %dma_wait3A_113 : memref<1x16x128xf32, #tpu.memory_space<hbm>> -> memref<16x128xf32, #tpu.memory_space<hbm>>
        %dma_wait3A_115 = arith.constant 9984 : i32
        %dma_wait3A_116 = arith.constant 0 : i32
        %dma_wait3A_117 = tpu.memref_slice %arg6[%dma_wait3A_115, %dma_wait3A_116] : memref<10000x128xf32, #tpu.memory_space<vmem_shared>> -> memref<16x128xf32, #tpu.memory_space<vmem_shared>>
        tpu.wait_dma2 semaphore(%run_scoped3A : memref<!tpu.dma_semaphore, #tpu.memory_space<semaphore_mem>>) src(%dma_wait3A_117 : memref<16x128xf32, #tpu.memory_space<vmem_shared>>) dst(%dma_wait3A_114 : memref<16x128xf32, #tpu.memory_space<hbm>>)
        tpu.yield
      }) : () -> ()
    } else {
    }
    "tpu.region"() ({
      %run_scoped3A = tpu.sem_alloc : memref<!tpu.dma_semaphore, #tpu.memory_space<semaphore_mem>>
      %dma_start3A_104 = arith.constant 0 : i32
      %dma_start3A_105 = tpu.memref_slice %arg5[%arg0, %arg1, %dma_start3A_104] : memref<2x16x10000xf32, #tpu.memory_space<hbm>> -> memref<1x1x10000xf32, #tpu.memory_space<hbm>>
      %dma_start3A_106 = tpu.memref_squeeze %dma_start3A_105 : memref<1x1x10000xf32, #tpu.memory_space<hbm>> -> memref<10000xf32, #tpu.memory_space<hbm>>
      %dma_start3A_107 = arith.constant 0 : i32
      %dma_start3A_108 = tpu.memref_slice %arg5[%arg0, %arg1, %dma_start3A_107] : memref<2x16x10000xf32, #tpu.memory_space<hbm>> -> memref<1x1x10000xf32, #tpu.memory_space<hbm>>
      %dma_start3A_109 = tpu.memref_squeeze %dma_start3A_108 : memref<1x1x10000xf32, #tpu.memory_space<hbm>> -> memref<10000xf32, #tpu.memory_space<hbm>>
      tpu.enqueue_dma source(%arg9 : memref<10000xf32, #tpu.memory_space<vmem>>) target(%dma_start3A_109 : memref<10000xf32, #tpu.memory_space<hbm>>) target_semaphore(%run_scoped3A : memref<!tpu.dma_semaphore, #tpu.memory_space<semaphore_mem>>)
      %dma_wait3A_110 = arith.constant 0 : i32
      %dma_wait3A_111 = tpu.memref_slice %arg5[%arg0, %arg1, %dma_wait3A_110] : memref<2x16x10000xf32, #tpu.memory_space<hbm>> -> memref<1x1x10000xf32, #tpu.memory_space<hbm>>
      %dma_wait3A_112 = tpu.memref_squeeze %dma_wait3A_111 : memref<1x1x10000xf32, #tpu.memory_space<hbm>> -> memref<10000xf32, #tpu.memory_space<hbm>>
      %dma_wait3A_113 = arith.constant 0 : i32
      %dma_wait3A_114 = tpu.memref_slice %arg5[%arg0, %arg1, %dma_wait3A_113] : memref<2x16x10000xf32, #tpu.memory_space<hbm>> -> memref<1x1x10000xf32, #tpu.memory_space<hbm>>
      %dma_wait3A_115 = tpu.memref_squeeze %dma_wait3A_114 : memref<1x1x10000xf32, #tpu.memory_space<hbm>> -> memref<10000xf32, #tpu.memory_space<hbm>>
      tpu.wait_dma2 semaphore(%run_scoped3A : memref<!tpu.dma_semaphore, #tpu.memory_space<semaphore_mem>>) src(%arg9 : memref<10000xf32, #tpu.memory_space<vmem>>) dst(%dma_wait3A_115 : memref<10000xf32, #tpu.memory_space<hbm>>)
      tpu.yield
    }) : () -> ()
    return
  }
}

</mosaic_0001>

<sc_bundles>
// kernel: _sc_aggregate.3.cloned.1.call-start
scs
__scs_entry_jumppad:
0x0: {  	(pc) =	sbr.rel $0x88, $3  }
0x1: {  	(tag) =	ssettag $0x0;
	lr =	simm.s32 $0x1  }
0x2: {  	[smem:$0x3F9F] =	sst lr;
	_ =	strace $0xD0000000  }
0x3: {  	_ = 	snop  }
0x4: {  	_ = 	snop  }
0x5: {  	_ = 	snop  }
0x6: {  	_ = 	snop  }
0x7: {  	_ = 	snop  }
__scs_overlays_trampoline_lowered:
0x8: {  	[smem:$0x3FAE] =	sst s0  }
0x9: {  	[smem:$0x3FAF] =	sst s1  }
0xa: {  	[smem:$0x3FB0] =	sst s2  }
0xb: {  	[smem:$0x3FB1] =	sst s3  }
0xc: {  	[smem:$0x3FB2] =	sst s4  }
0xd: {  	[smem:$0x3FB3] =	sst s5  }
0xe: {  	[smem:$0x3FB4] =	sst s6  }
0xf: {  	[smem:$0x3FB5] =	sst s7  }
0x10: {  	[smem:$0x3FB6] =	sst s8  }
0x11: {  	[smem:$0x3FB7] =	sst s9;
	s0 =	simm.s32 @!p0 $0x0  }
0x12: {  	s1 =	sld [smem:$0x3F9D];
	s0 =	simm.s32 @p0 $0x1  }
0x13: {  	[smem:$0x3FB8] =	sst s0;
	s0 =	simm.s32 @!p1 $0x0  }
0x14: {  	s2 =	sld [smem:$0x3F9C];
	s0 =	simm.s32 @p1 $0x1  }
0x15: {  	[smem:$0x3FB9] =	sst s0;
	s0 =	simm.s32 @!p2 $0x0  }
0x16: {  	s3 =	sld [smem:$0x3FDB];
	s0 =	simm.s32 @p2 $0x1  }
0x17: {  	s4 =	simm.s32 $0x1BF5;
	[smem:$0x3FBB] =	sst s0  }
0x18: {  	s0 =	sld [smem:$0x3F9E];
	_ =	swait.ge [sflag:s4], $0x0  }
0x19: {  	s7 =	sld [smem:$0x3F9F]  }
0x1a: {  	s8 =	sadd.s32 $0xFFFFE003, lr  }
0x1b: {  	s9 =	sadd.s32 $0xFFFFFEF7, lr;
	s5 =	simm.s32 $0xFFFFFFFF;
	p2 =	slt.u32 s8, $0xFFFFF086  }
0x1c: {  	p1 =	slt.u32 s9, $0xF7A;
	s5 =	simm.s32 @!p2 $0x0  }
0x1d: {  	s5 =	simm.s32 @p1 $0x1;
	p0 =	seq.s32 s7, s2  }
0x1e: {  	s7 =	smul.u32 @!p0 $0xF7A, s2;
	p2 =	seq.s32 @!p0 s5, $0x0  }
0x1f: {  	s9 =	smul.u32 $0xF7A, s1;
	s8 =	simm.s32 @!p0 $0x1BF5;
	p2 =	por !p2, p0  }
0x20: {  	[sflag:s8] =	ssyncset.s32 @!p0 $0xFFFFF086;
	s6 =	sadd.s32 @!p0 s3, s7;
	s7 =	simm.s32 @!p0 $0x108  }
0x21: {  	s3 =	sadd.s32 s3, s9;
	s6 =	sadd.s32 @!p0 $0x88, s6;
	s7 =	simm.s32 @p2 $0x1082  }
0x22: {  	[simem:s7], [sflag:s8] =	dma.local @!p0 [hbm:s6], $0xF7A  }
0x23: {  	s9 =	sor.u32 $0xD0000000, s2;
	s6 =	simm.s32 $0x108;
	_ =	swait.ge @!p0 [sflag:s8], $0x0  }
0x24: {  	s3 =	sadd.s32 $0x88, s3;
	s6 =	simm.s32 @!p1 $0x1082;
	[sflag:s4] =	ssyncset.s32 $0xFFFFF086  }
0x25: {  	[simem:s6], [sflag:s4] =	dma.local [hbm:s3], $0xF7A  }
0x26: {  	[smem:$0x3F9F] =	sst s1;
	(tag) =	ssettag s2;
	_ =	strace s9  }
0x27: {  	s1 =	sld [smem:$0x3FAF]  }
0x28: {  	s2 =	sld [smem:$0x3FB0]  }
0x29: {  	s4 =	sld [smem:$0x3FB2]  }
0x2a: {  	p0 =	seq.s32 s5, $0x0;
	s5 =	sld [smem:$0x3FB3]  }
0x2b: {  	s6 =	sld [smem:$0x3FB4]  }
0x2c: {  	s7 =	sld [smem:$0x3FB5]  }
0x2d: {  	s3 =	simm.s32 $0x108;
	s8 =	sld [smem:$0x3FB6]  }
0x2e: {  	s3 =	simm.s32 @!p0 $0x1082;
	s9 =	sld [smem:$0x3FB7]  }
0x2f: {  	lr =	sadd.s32 s0, s3;
	s0 =	sld [smem:$0x3FAE]  }
0x30: {  	s3 =	sld [smem:$0x3FB1]  }
0x31: {  	[smem:$0x3FBA] =	sst s10  }
0x32: {  	s10 =	sld [smem:$0x3FB8];
	_ =	sdelay $0x3  }
0x33: {  	p0 =	seq.s32 s10, $0x1;
	s10 =	sld [smem:$0x3FBA];
	_ =	sdelay $0x3  }
0x34: {  	[smem:$0x3FBA] =	sst s10  }
0x35: {  	s10 =	sld [smem:$0x3FB9];
	_ =	sdelay $0x3  }
0x36: {  	p1 =	seq.s32 s10, $0x1;
	s10 =	sld [smem:$0x3FBA];
	_ =	sdelay $0x3  }
0x37: {  	[smem:$0x3FBA] =	sst s10  }
0x38: {  	s10 =	sld [smem:$0x3FBB]  }
0x39: {  	_ = 	snop;
	(pc) =	sbr.ind lr, $3  }
0x3a: {  	_ = 	snop  }
0x3b: {  	_ = 	snop  }
0x3c: {  	p2 =	seq.s32 s10, $0x1;
	s10 =	sld [smem:$0x3FBA]  }
0x3d: {  	_ =	shalt  }
0x3e: {  	_ =	shalt  }
0x3f: {  	_ =	shalt  }
0x40: {  	_ =	shalt  }
0x41: {  	_ =	shalt  }
0x42: {  	_ =	shalt  }
0x43: {  	_ =	shalt  }
0x44: {  	_ =	shalt  }
0x45: {  	_ =	shalt  }
0x46: {  	_ =	shalt  }
0x47: {  	_ =	shalt  }
0x48: {  	_ =	shalt  }
0x49: {  	_ =	shalt  }
0x4a: {  	_ =	shalt  }
0x4b: {  	_ =	shalt  }
0x4c: {  	_ =	shalt  }
0x4d: {  	_ =	shalt  }
0x4e: {  	_ =	shalt  }
0x4f: {  	_ =	shalt  }
0x50: {  	_ =	shalt  }
0x51: {  	_ =	shalt  }
0x52: {  	_ =	shalt  }
0x53: {  	_ =	shalt  }
0x54: {  	_ =	shalt  }
0x55: {  	_ =	shalt  }
0x56: {  	_ =	shalt  }
0x57: {  	_ =	shalt  }
0x58: {  	_ =	shalt  }
0x59: {  	_ =	shalt  }
0x5a: {  	_ =	shalt  }
0x5b: {  	_ =	shalt  }
0x5c: {  	_ =	shalt  }
0x5d: {  	_ =	shalt  }
0x5e: {  	_ =	shalt  }
0x5f: {  	_ =	shalt  }
0x60: {  	_ =	shalt  }
0x61: {  	_ =	shalt  }
0x62: {  	_ =	shalt  }
0x63: {  	_ =	shalt  }
0x64: {  	_ =	shalt  }
0x65: {  	_ =	shalt  }
0x66: {  	_ =	shalt  }
0x67: {  	_ =	shalt  }
0x68: {  	_ =	shalt  }
0x69: {  	_ =	shalt  }
0x6a: {  	_ =	shalt  }
0x6b: {  	_ =	shalt  }
0x6c: {  	_ =	shalt  }
0x6d: {  	_ =	shalt  }
0x6e: {  	_ =	shalt  }
0x6f: {  	_ =	shalt  }
0x70: {  	_ =	shalt  }
0x71: {  	_ =	shalt  }
0x72: {  	_ =	shalt  }
0x73: {  	_ =	shalt  }
0x74: {  	_ =	shalt  }
0x75: {  	_ =	shalt  }
0x76: {  	_ =	shalt  }
0x77: {  	_ =	shalt  }
0x78: {  	_ =	shalt  }
0x79: {  	_ =	shalt  }
0x7a: {  	_ =	shalt  }
0x7b: {  	_ =	shalt  }
0x7c: {  	_ =	shalt  }
0x7d: {  	_ =	shalt  }
0x7e: {  	_ =	shalt  }
0x7f: {  	_ =	shalt  }
0x80: {  	_ =	shalt  }
0x81: {  	_ =	shalt  }
0x82: {  	_ =	shalt  }
0x83: {  	_ =	shalt  }
0x84: {  	_ =	shalt  }
0x85: {  	_ =	shalt  }
0x86: {  	_ =	shalt  }
0x87: {  	_ =	shalt  }
.Lfunc_end0:
.L_simem_size_0:
called_computation_lowered:
.L_overlay_start_0:
0x88: {  	s2 =	sld [smem:$0x3FD9]  }
0x89: {  	s3 =	sld [smem:$0x3FFE];
	_ =	sdelay $0x1  }
0x8a: {  	s1 =	srdreg.scid  }
0x8b: {  	s0 =	sand.u32 $0x1, s1  }
0x8c: {  	s14 =	sshll.u32 s0, $0xA;
	s2 =	sadd.s32 s3, s2  }
0x8d: {  	s2 =	sadd.s32 s2, s14  }
0x8e: {  	[smem:$0x3FC6] =	sst s2  }
0x8f: {  	_ = 	snop  }
0x90: {  	s2 =	sld [smem:$0x3FD0];
	_ =	sdelay $0x2  }
0x91: {  	s4 =	simm.s32 $0xA;
	s5 =	simm.s32 $0x10;
	s15 =	sld [smem:$0x3FC9]  }
0x92: {  	[smem:s5], [sflag:s4] =	dma.local [hbm:s2], $0x1  }
0x93: {  	_ =	swait.eq [sflag:s4], $0x1  }
0x94: {  	[sflag:s4] =	ssyncset.done $0x0  }
0x95: {  	[sflag:s4] =	ssyncadd.s32 $0xFFFFFFFF  }
0x96: {  	s16 =	sld [smem:$0x10];
	(tm) =	ssettm $0x1  }
0x97: {  	s17 =	sld [smem:$0x3FFB];
	_ =	sdelay $0x3  }
0x98: {  	_ =	strace s17  }
0x99: {  	s4 =	sld [smem:$0x3FFC];
	_ =	sdelay $0x3  }
0x9a: {  	_ =	strace s4  }
0x9b: {  	s4 =	sld [smem:$0x3FFD];
	_ =	sdelay $0x3  }
0x9c: {  	_ =	strace s4  }
0x9d: {  	_ =	strace $0x8FFFFFFF  }
0x9e: {  	s18 =	sld [smem:$0x3FDB];
	_ =	sdelay $0x1  }
0x9f: {  	s19 =	simm.s32 $_scs_section_size  }
0xa0: {  	s6 =	simm.s32 $_size__tile_overlayer_lowered;
	s7 =	simm.s32 $_tile_overlayer_lowered  }
0xa1: {  	s22 =	simm.s32 $0x1BFF;
	s21 =	sshll.u32 s7, $0x1;
	s4 =	sadd.s32 s19, s18  }
0xa2: {  	s8 =	simm.s32 $0x0;
	s20 =	sshll.u32 s6, $0x1;
	s6 =	sadd.s32 s21, s4  }
0xa3: {  	[timem:s8], [sflag:s22] =	dma.local [hbm:s6], s20  }
0xa4: {  	_ =	swait.ge [sflag:s22], s20  }
0xa5: {  	s5 =	ssub.s32 $0x0, s20;
	[sflag:s22] =	ssyncset.done $0x0  }
0xa6: {  	[sflag:s22] =	ssyncadd.s32 s5;
	_ =	sdelay $0x1  }
0xa7: {  	s23 =	simm.s32 $0x1B8B  }
0xa8: {  	_ =	swait.ge [sflag:s23], $0x1  }
0xa9: {  	[sflag:s23] =	ssyncset.done $0x0  }
0xaa: {  	s25 =	simm.s32 $0x1B8E;
	s24 =	sld [smem:$0x3FFE];
	[sflag:s23] =	ssyncadd.s32 $0xFFFFFFFF  }
0xab: {  	s26 =	simm.s32 $execute0_lowered;
	[smem:$0x3FD2] =	sst s25  }
0xac: {  	s6 =	sshll.u32 s26, $0x1;
	_ =	strace $0x80000046;
	[dreg:$0x1] =	wrdreg $0xFFFFFFFF  }
0xad: {  	s28 =	simm.s32 $_size_execute0_lowered;
	s4 =	sadd.s32 s4, s6;
	[dreg:$0x0] =	wrdreg $0x0  }
0xae: {  	s6 =	sshll.u32 s28, $0x1;
	[dreg:$0x2] =	wrdreg s4  }
0xaf: {  	[dreg:$0x3] =	wrdreg s6  }
0xb0: {  	[dreg:$0x4] =	wrdreg $0xC0  }
0xb1: {  	_ =	task [dreg:s8], $0x5FFFF  }
0xb2: {  	[dreg:$0x1] =	wrdreg $0xFFFFFFFF  }
0xb3: {  	[dreg:$0x0] =	wrdreg $0x60  }
0xb4: {  	[dreg:$0x2] =	wrdreg s15  }
0xb5: {  	[dreg:$0x3] =	wrdreg s24  }
0xb6: {  	[dreg:$0x4] =	wrdreg s16  }
0xb7: {  	[dreg:$0x5] =	wrdreg $0x0  }
0xb8: {  	[dreg:$0x6] =	wrdreg $0x9  }
0xb9: {  	_ =	task.clear_ibuf [dreg:s8], $0x7FFFF;
	_ =	strace $0x90000046  }
0xba: {  	s29 =	simm.s32 $0x9;
	_ =	strace $0x80000048  }
0xbb: {  	_ =	swait.ge [sflag:s29], $0x1  }
0xbc: {  	[sflag:s29] =	ssyncadd.s32 $0xFFFFFFFF  }
0xbd: {  	_ =	strace $0x90000048  }
0xbe: {  	_ =	sfence  }
0xbf: {  	s30 =	sld [smem:$0x0];
	_ =	sdelay $0x2  }
0xc0: {  	s31 =	sshll.u32 s1, $0xD;
	s1 =	sshrl.u32 s1, $0x2  }
0xc1: {  	s3 =	sand.u32 $0x4000, s31;
	s1 =	sadd.s32 s1, s30  }
0xc2: {  	s0 =	sor.u32 s3, s0;
	s1 =	sshll.u32 s1, $0x11  }
0xc3: {  	s0 =	sor.u32 s1, s0  }
0xc4: {  	s0 =	sadd.s32 $0x8F2B, s0  }
0xc5: {  	[sflag:s0] =	ssyncadd.remote.s32 $0x1  }
0xc6: {  	_ =	sfence.sel $0xFFFF  }
0xc7: {  	[dreg:$0x0] =	wrdreg $0xFFFFFFFF;
	(pc) =	sbr.abs _section_cstart, $3  }
0xc8: {  	[dreg:$0x1] =	wrdreg $0xFFFFFFFF  }
0xc9: {  	_ =	task.clear_ibuf [dreg:s8], $0x2FFFF;
	_ =	strace $0x9FFFFFFF  }
0xca: {  	(tm) =	ssettm $0x7FFFFFFF  }
0xcb: {  	_ =	shalt  }
tec
execute0_lowered:
.L_overlay_start_1:
0x0: {  	(tag) =	ssettag $0x1  }
0x1: {  	s1 =	rddreg [dreg:$0x0]  }
0x2: {  	s5 =	rddreg [dreg:$0x1]  }
0x3: {  	s0 =	srdreg.scid;
	s6 =	rddreg [dreg:$0x2]  }
0x4: {  	s26 =	stileid.u32;
	s3 =	rddreg [dreg:$0x3]  }
0x5: {  	s4 =	simm.s32 $0x0;
	s28 =	simm.s32 $0x1B710;
	s29 =	simm.s32 $0x3  }
0x6: {  	s30 =	simm.s32 $0x1;
	s31 =	simm.s32 $0x2;
	s8 =	smul.u32 $0x2710, s26  }
0x7: {  	s0 =	sand.u32 $0x1, s0;
	[smem:$0x7FF] =	sst s4;
	s9 =	smul.u32 $0x4E000, s26  }
0x8: {  	s20 =	smul.u32 $0x13800, s26;
	p0 =	sne.s32 s26, $0xF;
	s2 =	sshll.u32 s0, $0x4  }
0x9: {  	s7 =	smul.u32 $0x27100, s0;
	_ =	strace $0x80000047;
	s19 =	ssub.s32 $0x2, s0  }
0xa: {  	s0 =	smul.u32 $0x138800, s0;
	s2 =	sor.u32 s26, s2;
	s21 =	sshrl.u32 s19, $0x1  }
0xb: {  	s9 =	sshrl.u32 s9, $0x2;
	s26 =	simm.s32 $0x19000;
	s2 =	smul.u32 $0x2BC0, s2  }
0xc: {  	s7 =	sadd.s32 s8, s7;
	s8 =	ssub.s32 s19, s21;
	s23 =	sadd.s32 s9, s3  }
0xd: {  	s25 =	sadd.s32 s20, s0;
	s0 =	sshrl.u32 s0, $0x3;
	s7 =	sshrl.u32 s7, $0x3  }
0xe: {  	s9 =	sadd.s32 $0x1900, s23;
	s24 =	sadd.s32 $0x3200, s23;
	s10 =	sadd.s32 $0x4B00, s23  }
0xf: {  	s11 =	sadd.s32 $0x6400, s23;
	s12 =	sadd.s32 $0x7D00, s23;
	s13 =	sadd.s32 $0x9600, s23  }
0x10: {  	s14 =	sadd.s32 $0xAF00, s23;
	s15 =	sadd.s32 $0xC800, s23;
	s16 =	sadd.s32 $0xE100, s23  }
0x11: {  	s17 =	sadd.s32 $0xFA00, s23;
	s18 =	sadd.s32 $0x11300, s23;
	s19 =	sadd.s32 $0x12C00, s23  }
0x12: {  	s0 =	sadd.s32 s6, s0;
	s2 =	sshrl.u32 s2, $0x3;
	[dreg:$0x7] =	wrdreg s9  }
0x13: {  	[dreg:$0x8] =	wrdreg s24;
	s24 =	smax.u32 s8, $0x1;
	s2 =	sadd.s32 s2, s5  }
0x14: {  	s5 =	sadd.s32 s7, s5;
	s7 =	sadd.s32 s20, s3;
	s22 =	sadd.s32 $0x800, s2  }
0x15: {  	s20 =	sadd.s32 $0x138000, s3;
	s2 =	sadd.s32 $0xB700, s2;
	[dreg:$0x5] =	wrdreg s22  }
0x16: {  	s23 =	sadd.s32 $0x16600, s5;
	s5 =	simm.s32 $0x0;
	[dreg:$0x6] =	wrdreg s2  }
0x17: {  	s2 =	sshrl.u32 s25, $0x3;
	s22 =	sadd.s32 $0x27000, s0;
	s25 =	simm.s32 $0x13880  }
0x18: {  	v0 =	vimm.f32 $0.0e+00;
	v1 =	vimm.f32 $1.000000000e+00;
	vm0 =	vcmask $0x3F38;
	s0 =	simm.s32 $0x1D010;
	s21 =	sadd.s32 s6, s2;
	s2 =	simm.s32 $0x32  }
.LBB2_1:
0x19: {  	s6 =	rddreg [dreg:$0x5]  }
0x1a: {  	[tilespmem:s25], [sflag:$0x1] =	stream.linear.gather [hbm4b:s6+s4], $0x2BC0, $0x38;
	[tilespmem:$0x1E910] =	vst v63  }
0x1b: {  	s9 =	rddreg [dreg:$0x6];
	s8 =	simm.s32 $0x16440  }
0x1c: {  	[tilespmem:s8], [sflag:$0x2] =	stream.linear.gather [hbm4b:s9+s4], $0x2BC0, $0x38;
	[tilespmem:$0x1E910] =	vst v63  }
0x1d: {  	s6 =	simm.s32 $0x70;
	s8 =	simm.s32 $0x3C0  }
.LBB2_2:
0x1e: {  	p1 =	sne.s32 s8, $0x63C0;
	[tilespmem:s6+$0x1B710] =	vst v0  }
0x1f: {  	[tilespmem:s6+$0x1B6A0] =	vst v0  }
0x20: {  	[tilespmem:s6+$0x1B6B0] =	vst v0  }
.Ltmp0:
0x21: {  	[tilespmem:s6+$0x1B6C0] =	vst v0;
	(pc) =	sbr.rel @p1 .LBB2_2-.Ltmp0, $4  }
0x22: {  	[tilespmem:s6+$0x1B6D0] =	vst v0  }
0x23: {  	[tilespmem:s6+$0x1B6E0] =	vst v0  }
0x24: {  	[tilespmem:s6+$0x1B6F0] =	vst v0  }
0x25: {  	[tilespmem:s6+$0x1B700] =	vst v0;
	s6 =	sshra.s32 s8, $0x2;
	s8 =	sadd.s32 $0x200, s8  }
0x26: {  	[tilespmem:s6+$0x1B710] =	vst v0  }
0x27: {  	[tilespmem:s6+$0x1B6A0] =	vst v0  }
0x28: {  	[tilespmem:s6+$0x1B6B0] =	vst v0  }
0x29: {  	[tilespmem:s6+$0x1B6C0] =	vst v0  }
0x2a: {  	[tilespmem:s6+$0x1B6D0] =	vst v0  }
0x2b: {  	[tilespmem:s6+$0x1B6E0] =	vst v0  }
0x2c: {  	[tilespmem:s6+$0x1B6F0] =	vst v0  }
0x2d: {  	[tilespmem:s6+$0x1B700] =	vst v0;
	s6 =	simm.s32 $0x40;
	s8 =	simm.s32 $0x0  }
.LBB2_4:
0x2e: {  	p1 =	sne.s32 s6, $0x9C00;
	[tilespmem:s8+$0x19000] =	vst v0;
	s8 =	smov.u32 s6;
	s6 =	sadd.s32 $0x40, s6  }
.Ltmp1:
0x2f: {  	(pc) =	sbr.rel @p1 .LBB2_4-.Ltmp1, $2  }
0x30: {  	_ =	sdelay $0x2  }
0x31: {  	s8 =	sshra.s32 s8, $0x2  }
0x32: {  	[tilespmem:s8+$0x19000] =	vst v0  }
0x33: {  	[spmem:s7] =	stream.linear.scatter [tilespmem:s28], [sflag:$0x3], $0x1900, $0x38;
	[tilespmem:$0x1E910] =	vst v63  }
0x34: {  	_ =	swait.ge [sflag:s29], $0x1900  }
0x35: {  	[sflag:s29] =	ssyncset.done $0x0  }
0x36: {  	s6 =	rddreg [dreg:$0x7];
	[sflag:s29] =	ssyncadd.s32 $0xFFFFE700  }
0x37: {  	[spmem:s6] =	stream.linear.scatter [tilespmem:s28], [sflag:$0x3], $0x1900, $0x38;
	[tilespmem:$0x1E910] =	vst v63  }
0x38: {  	_ =	swait.ge [sflag:s29], $0x1900  }
0x39: {  	[sflag:s29] =	ssyncset.done $0x0  }
0x3a: {  	s9 =	rddreg [dreg:$0x8];
	[sflag:s29] =	ssyncadd.s32 $0xFFFFE700  }
0x3b: {  	[spmem:s9] =	stream.linear.scatter [tilespmem:s28], [sflag:$0x3], $0x1900, $0x38;
	[tilespmem:$0x1E910] =	vst v63  }
0x3c: {  	_ =	swait.ge [sflag:s29], $0x1900  }
0x3d: {  	[sflag:s29] =	ssyncset.done $0x0  }
0x3e: {  	[sflag:s29] =	ssyncadd.s32 $0xFFFFE700  }
0x3f: {  	[spmem:s10] =	stream.linear.scatter [tilespmem:s28], [sflag:$0x3], $0x1900, $0x38;
	[tilespmem:$0x1E910] =	vst v63  }
0x40: {  	_ =	swait.ge [sflag:s29], $0x1900  }
0x41: {  	[sflag:s29] =	ssyncset.done $0x0  }
0x42: {  	[sflag:s29] =	ssyncadd.s32 $0xFFFFE700  }
0x43: {  	[spmem:s11] =	stream.linear.scatter [tilespmem:s28], [sflag:$0x3], $0x1900, $0x38;
	[tilespmem:$0x1E910] =	vst v63  }
0x44: {  	_ =	swait.ge [sflag:s29], $0x1900  }
0x45: {  	[sflag:s29] =	ssyncset.done $0x0  }
0x46: {  	[sflag:s29] =	ssyncadd.s32 $0xFFFFE700  }
0x47: {  	[spmem:s12] =	stream.linear.scatter [tilespmem:s28], [sflag:$0x3], $0x1900, $0x38;
	[tilespmem:$0x1E910] =	vst v63  }
0x48: {  	_ =	swait.ge [sflag:s29], $0x1900  }
0x49: {  	[sflag:s29] =	ssyncset.done $0x0  }
0x4a: {  	[sflag:s29] =	ssyncadd.s32 $0xFFFFE700  }
0x4b: {  	[spmem:s13] =	stream.linear.scatter [tilespmem:s28], [sflag:$0x3], $0x1900, $0x38;
	[tilespmem:$0x1E910] =	vst v63  }
0x4c: {  	_ =	swait.ge [sflag:s29], $0x1900  }
0x4d: {  	[sflag:s29] =	ssyncset.done $0x0  }
0x4e: {  	[sflag:s29] =	ssyncadd.s32 $0xFFFFE700  }
0x4f: {  	[spmem:s14] =	stream.linear.scatter [tilespmem:s28], [sflag:$0x3], $0x1900, $0x38;
	[tilespmem:$0x1E910] =	vst v63  }
0x50: {  	_ =	swait.ge [sflag:s29], $0x1900  }
0x51: {  	[sflag:s29] =	ssyncset.done $0x0  }
0x52: {  	[sflag:s29] =	ssyncadd.s32 $0xFFFFE700  }
0x53: {  	[spmem:s15] =	stream.linear.scatter [tilespmem:s28], [sflag:$0x3], $0x1900, $0x38;
	[tilespmem:$0x1E910] =	vst v63  }
0x54: {  	_ =	swait.ge [sflag:s29], $0x1900  }
0x55: {  	[sflag:s29] =	ssyncset.done $0x0  }
0x56: {  	[sflag:s29] =	ssyncadd.s32 $0xFFFFE700  }
0x57: {  	[spmem:s16] =	stream.linear.scatter [tilespmem:s28], [sflag:$0x3], $0x1900, $0x38;
	[tilespmem:$0x1E910] =	vst v63  }
0x58: {  	_ =	swait.ge [sflag:s29], $0x1900  }
0x59: {  	[sflag:s29] =	ssyncset.done $0x0  }
0x5a: {  	[sflag:s29] =	ssyncadd.s32 $0xFFFFE700  }
0x5b: {  	[spmem:s17] =	stream.linear.scatter [tilespmem:s28], [sflag:$0x3], $0x1900, $0x38;
	[tilespmem:$0x1E910] =	vst v63  }
0x5c: {  	_ =	swait.ge [sflag:s29], $0x1900  }
0x5d: {  	[sflag:s29] =	ssyncset.done $0x0  }
0x5e: {  	[sflag:s29] =	ssyncadd.s32 $0xFFFFE700  }
0x5f: {  	[spmem:s18] =	stream.linear.scatter [tilespmem:s28], [sflag:$0x3], $0x1900, $0x38;
	[tilespmem:$0x1E910] =	vst v63  }
0x60: {  	_ =	swait.ge [sflag:s29], $0x1900  }
0x61: {  	[sflag:s29] =	ssyncset.done $0x0  }
0x62: {  	[sflag:s29] =	ssyncadd.s32 $0xFFFFE700  }
0x63: {  	[spmem:s19] =	stream.linear.scatter [tilespmem:s28], [sflag:$0x3], $0xC00, $0x38;
	[tilespmem:$0x1E910] =	vst v63  }
0x64: {  	_ =	swait.ge [sflag:s29], $0xC00  }
0x65: {  	[sflag:s29] =	ssyncset.done $0x0  }
0x66: {  	s6 =	simm.s32 @!p0 $0x1B710;
	[sflag:s29] =	ssyncadd.s32 $0xFFFFF400  }
0x67: {  	[spmem:s20] =	stream.linear.scatter @!p0 [tilespmem:s6], [sflag:$0x3], $0x800, $0x38;
	[tilespmem:$0x1E910] =	vst v63  }
0x68: {  	s6 =	simm.s32 @!p0 $0x3  }
0x69: {  	_ =	swait.ge @!p0 [sflag:s6], $0x800  }
0x6a: {  	[sflag:s6] =	ssyncset.done @!p0 $0x0  }
0x6b: {  	[sflag:s6] =	ssyncadd.s32 @!p0 $0xFFFFF800  }
0x6c: {  	_ =	swait.ge [sflag:s30], $0x2BC0  }
0x6d: {  	[sflag:s30] =	ssyncset.done $0x0  }
0x6e: {  	[sflag:s30] =	ssyncadd.s32 $0xFFFFD440  }
0x6f: {  	_ =	swait.ge [sflag:s31], $0x2BC0  }
0x70: {  	[sflag:s31] =	ssyncset.done $0x0  }
0x71: {  	[sflag:s31] =	ssyncadd.s32 $0xFFFFD440  }
0x72: {  	s6 =	simm.s32 $0x0;
	[bflag:$0x0] =	sbarrier.arrive $0xFFFF  }
0x73: {  	[tilespmem:s28], [sflag:$0x1] =	stream.indirect.gather [hbm4b:s1+s2], $0x80, s25, s2, $0xb8;
	[tilespmem:$0x1E910] =	vst v63  }
.LBB2_6:
0x74: {  	s8 =	sshra.s32 s6, $0x2  }
0x75: {  	s9 =	sadd.s32 $0x138B8, s8  }
0x76: {  	[tilespmem:s0], [sflag:$0x2] =	stream.indirect.gather [hbm4b:s1+s2], $0x80, s9, s2, $0xb8;
	[tilespmem:$0x1E910] =	vst v63  }
0x77: {  	v2 =	vld [tilespmem:s8+$0x16440];
	_ =	sdelay $0x7  }
0x78: {  	[tilespmem:v2+s26+$0x0] =	vst.idx.add.f32.msk $0xffff, v1  }
0x79: {  	v2 =	vld [tilespmem:s8+$0x16450];
	_ =	sdelay $0x7  }
0x7a: {  	[tilespmem:v2+s26+$0x0] =	vst.idx.add.f32.msk $0xffff, v1  }
0x7b: {  	v2 =	vld [tilespmem:s8+$0x16460];
	_ =	sdelay $0x7  }
0x7c: {  	[tilespmem:v2+s26+$0x0] =	vst.idx.add.f32.msk $0xffff, v1  }
0x7d: {  	v2 =	vld [tilespmem:s8+$0x16462];
	_ =	sdelay $0x7  }
0x7e: {  	[tilespmem:v2+s26+$0x0] =	vst.idx.add.f32.msk vm0, v1  }
0x7f: {  	_ =	swait.ge [sflag:s30], $0x1900  }
0x80: {  	[sflag:s30] =	ssyncset.done $0x0  }
0x81: {  	s9 =	sadd.s32 $0x16440, s8;
	[sflag:s30] =	ssyncadd.s32 $0xFFFFE700  }
0x82: {  	[spmem:s3] =	stream.indirect.scatter.add.f32 [tilespmem:s28], [sflag:$0x3], $0x80, s9, s2, $0xb8;
	[tilespmem:$0x1E910] =	vst v63  }
0x83: {  	_ =	swait.ge [sflag:s29], $0x1900  }
0x84: {  	[sflag:s29] =	ssyncset.done $0x0  }
0x85: {  	s9 =	sadd.s32 $0x138F0, s8;
	[sflag:s29] =	ssyncadd.s32 $0xFFFFE700  }
0x86: {  	[tilespmem:s28], [sflag:$0x1] =	stream.indirect.gather [hbm4b:s1+s2], $0x80, s9, s2, $0xb8;
	[tilespmem:$0x1E910] =	vst v63  }
0x87: {  	v2 =	vld [tilespmem:s8+$0x16478];
	_ =	sdelay $0x7  }
0x88: {  	[tilespmem:v2+s26+$0x0] =	vst.idx.add.f32.msk $0xffff, v1  }
0x89: {  	v2 =	vld [tilespmem:s8+$0x16488];
	_ =	sdelay $0x7  }
0x8a: {  	[tilespmem:v2+s26+$0x0] =	vst.idx.add.f32.msk $0xffff, v1  }
0x8b: {  	v2 =	vld [tilespmem:s8+$0x16498];
	_ =	sdelay $0x7  }
0x8c: {  	[tilespmem:v2+s26+$0x0] =	vst.idx.add.f32.msk $0xffff, v1  }
0x8d: {  	v2 =	vld [tilespmem:s8+$0x1649A];
	_ =	sdelay $0x7  }
0x8e: {  	[tilespmem:v2+s26+$0x0] =	vst.idx.add.f32.msk vm0, v1  }
0x8f: {  	_ =	swait.ge [sflag:s31], $0x1900  }
0x90: {  	p1 =	sne.s32 s6, $0xAB80;
	[sflag:s31] =	ssyncset.done $0x0  }
.Ltmp2:
0x91: {  	s8 =	sadd.s32 $0x16478, s8;
	[sflag:s31] =	ssyncadd.s32 $0xFFFFE700;
	(pc) =	sbr.rel @p1 .LBB2_6-.Ltmp2, $4  }
0x92: {  	[spmem:s3] =	stream.indirect.scatter.add.f32 [tilespmem:s0], [sflag:$0x3], $0x80, s8, s2, $0xb8;
	[tilespmem:$0x1E910] =	vst v63  }
0x93: {  	_ =	swait.ge [sflag:s29], $0x1900  }
0x94: {  	[sflag:s29] =	ssyncset.done $0x0  }
0x95: {  	s6 =	sadd.s32 $0x1C0, s6;
	[sflag:s29] =	ssyncadd.s32 $0xFFFFE700  }
0x96: {  	s6 =	simm.s32 $0x16408  }
0x97: {  	[tilespmem:s0], [sflag:$0x2] =	stream.indirect.gather [hbm4b:s1+s2], $0x80, s6, s2, $0xb8;
	[tilespmem:$0x1E910] =	vst v63  }
0x98: {  	v2 =	vld [tilespmem:$0x18F90];
	_ =	sdelay $0x7  }
0x99: {  	[tilespmem:v2+s26+$0x0] =	vst.idx.add.f32.msk $0xffff, v1  }
0x9a: {  	v2 =	vld [tilespmem:$0x18FA0];
	_ =	sdelay $0x7  }
0x9b: {  	[tilespmem:v2+s26+$0x0] =	vst.idx.add.f32.msk $0xffff, v1  }
0x9c: {  	v2 =	vld [tilespmem:$0x18FB0];
	_ =	sdelay $0x7  }
0x9d: {  	[tilespmem:v2+s26+$0x0] =	vst.idx.add.f32.msk $0xffff, v1  }
0x9e: {  	v2 =	vld [tilespmem:$0x18FB2];
	_ =	sdelay $0x7  }
0x9f: {  	[tilespmem:v2+s26+$0x0] =	vst.idx.add.f32.msk vm0, v1  }
0xa0: {  	_ =	swait.ge [sflag:s30], $0x1900  }
0xa1: {  	[sflag:s30] =	ssyncset.done $0x0  }
0xa2: {  	s9 =	simm.s32 $0x18F90;
	[sflag:s30] =	ssyncadd.s32 $0xFFFFE700  }
0xa3: {  	[spmem:s3] =	stream.indirect.scatter.add.f32 [tilespmem:s28], [sflag:$0x3], $0x80, s9, s2, $0xb8;
	[tilespmem:$0x1E910] =	vst v63  }
0xa4: {  	_ =	swait.ge [sflag:s29], $0x1900  }
0xa5: {  	[sflag:s29] =	ssyncset.done $0x0  }
0xa6: {  	[sflag:s29] =	ssyncadd.s32 $0xFFFFE700  }
0xa7: {  	v2 =	vld [tilespmem:$0x18FC8];
	_ =	sdelay $0x7  }
0xa8: {  	[tilespmem:v2+s26+$0x0] =	vst.idx.add.f32.msk $0xffff, v1  }
0xa9: {  	v2 =	vld [tilespmem:$0x18FD8];
	_ =	sdelay $0x7  }
0xaa: {  	[tilespmem:v2+s26+$0x0] =	vst.idx.add.f32.msk $0xffff, v1  }
0xab: {  	v2 =	vld [tilespmem:$0x18FE8];
	_ =	sdelay $0x7  }
0xac: {  	[tilespmem:v2+s26+$0x0] =	vst.idx.add.f32.msk $0xffff, v1  }
0xad: {  	v2 =	vld [tilespmem:$0x18FEA];
	_ =	sdelay $0x7  }
0xae: {  	[tilespmem:v2+s26+$0x0] =	vst.idx.add.f32.msk vm0, v1  }
0xaf: {  	_ =	swait.ge [sflag:s31], $0x1900  }
0xb0: {  	[sflag:s31] =	ssyncset.done $0x0  }
0xb1: {  	s8 =	simm.s32 $0x18FC8;
	[sflag:s31] =	ssyncadd.s32 $0xFFFFE700  }
0xb2: {  	[spmem:s3] =	stream.indirect.scatter.add.f32 [tilespmem:s0], [sflag:$0x3], $0x80, s8, s2, $0xb8;
	[tilespmem:$0x1E910] =	vst v63  }
0xb3: {  	_ =	swait.ge [sflag:s29], $0x1900  }
0xb4: {  	s9 =	stileid.u32;
	[sflag:s29] =	ssyncset.done $0x0  }
0xb5: {  	s6 =	sshll.u32 s9, $0x6;
	[sflag:s29] =	ssyncadd.s32 $0xFFFFE700  }
0xb6: {  	s6 =	sor.u32 $0x1C03, s6;
	s8 =	sshrl.u32 s7, $0x3;
	[bflag:$0x0] =	sbarrier.arrive $0xFFFF  }
0xb7: {  	[hbm:s21], [sflag:s6] =	dma.local [spmem:s8], $0x2700  }
0xb8: {  	_ =	swait.ge [sflag:s29], $0x2700  }
0xb9: {  	[sflag:s29] =	ssyncset.done $0x0  }
0xba: {  	s8 =	sshrl.u32 @!p0 s20, $0x3;
	[sflag:s29] =	ssyncadd.s32 $0xFFFFD900  }
0xbb: {  	[hbm:s22], [sflag:s6] =	dma.local @!p0 [spmem:s8], $0x100  }
0xbc: {  	s6 =	simm.s32 @!p0 $0x3  }
0xbd: {  	s5 =	sadd.s32 $0x1, s5;
	_ =	swait.ge @!p0 [sflag:s6], $0x100  }
0xbe: {  	p1 =	sne.s32 s5, s24;
	[sflag:s6] =	ssyncset.done @!p0 $0x0  }
.Ltmp3:
0xbf: {  	[sflag:s6] =	ssyncadd.s32 @!p0 $0xFFFFFF00;
	(pc) =	sbr.rel @p1 .LBB2_1-.Ltmp3, $4  }
0xc0: {  	[hbm4b:s23+s4] =	stream.linear.scatter [tilespmem:s26], [sflag:$0x3], $0x2710, $0x38;
	[tilespmem:$0x1E910] =	vst v63  }
0xc1: {  	_ =	swait.ge [sflag:s29], $0x2710  }
0xc2: {  	[sflag:s29] =	ssyncset.done $0x0  }
0xc3: {  	[sflag:s29] =	ssyncadd.s32 $0xFFFFD8F0  }
0xc4: {  	_ =	sfence.sel $0x180000  }
0xc5: {  	[bflag:$0x0] =	sbarrier.arrive $0xFFFF  }
0xc6: {  	_ =	strace $0x90000047  }
0xc7: {  	s0 =	stileid.u32;
	[bflag:$0x2] =	sbarrier.arrive $0xFFFF  }
0xc8: {  	p0 =	sne.s32 s0, $0x0;
	s0 =	rddreg [dreg:$0x4]  }
0xc9: {  	s0 =	sadd.s32 @!p0 $0x100000, s0  }
0xca: {  	[sflag:s0] =	ssyncadd.tile.s32 @!p0 $0x1;
	_ =	shalt  }
.Lfunc_end2:
_tile_overlayer_lowered:
.L_overlay_start_2:
0xcb: {  	(tag) =	ssettag $0x2  }
0xcc: {  	s0 =	rddreg [dreg:$0x0];
	s2 =	stileid.u32  }
0xcd: {  	s1 =	rddreg [dreg:$0x1];
	p0 =	sne.s32 s2, $0x0  }
0xce: {  	s3 =	rddreg [dreg:$0x2];
	[bflag:$0x3] =	sbarrier.arrive $0xFFFF;
	s2 =	simm.s32 @!p0 $0x1C03  }
0xcf: {  	[timem:s3], [sflag:s2] =	dma.local @!p0 [hbm:s0], s1  }
0xd0: {  	s0 =	simm.s32 @!p0 $0x3  }
0xd1: {  	_ =	swait.ge @!p0 [sflag:s0], s1  }
0xd2: {  	s1 =	ssub.s32 @!p0 $0x0, s1;
	[sflag:s0] =	ssyncset.done @!p0 $0x0  }
0xd3: {  	[sflag:s0] =	ssyncadd.s32 @!p0 s1  }
0xd4: {  	[bflag:$0x3] =	sbarrier.arrive $0xFFFF  }
0xd5: {  	_ =	shalt  }

</sc_bundles>
